<compile_context>
chip_gen: v7x
topology: tpu7x:2x2x1
jax: 0.10.2.dev20260603
libtpu: 0.0.44.dev20260713+nightly
codegen_flags: <defaults>
</compile_context>

<pallas_src>
import functools

import jax
import jax.numpy as jnp
from jax import lax
from jax.experimental import pallas as pl
from jax.experimental.pallas import tpu as pltpu
from jax.experimental.pallas import tpu_sc as plsc

_N = 10000
_E = 320000
_D = 128
_NC = 2
_NS = 16
_NW = _NC * _NS
_K = 128
_CH = 79
_EPW = _K * _CH
_ACC = 10240
_RPS = _ACC // _NS
_TRASH = _N + 7

_BLK = 1000


def _mlp_body(x_ref, w1_ref, b1_ref, w2_ref, b2_ref, o_ref):
    t = jnp.dot(x_ref[...], w1_ref[...], preferred_element_type=jnp.float32)
    t = jnp.maximum(t + b1_ref[...], 0.0)
    o_ref[...] = (
        jnp.dot(t, w2_ref[...], preferred_element_type=jnp.float32)
        + b2_ref[...]
    )


def _mlp2_body(x_ref, w1_ref, b1_ref, w2_ref, b2_ref, o_ref):
    t = jnp.dot(x_ref[...], w1_ref[...], preferred_element_type=jnp.float32)
    t = jnp.maximum(t + b1_ref[...], 0.0)
    o_ref[0] = (
        jnp.dot(t, w2_ref[...], preferred_element_type=jnp.float32)
        + b2_ref[...]
    )


def _msg_mlp(h, w1, b1, w2, b2):
    full = lambda c, i: (0, 0)
    return pl.pallas_call(
        _mlp2_body,
        grid=(_NC, _N // _BLK),
        in_specs=[
            pl.BlockSpec((_BLK, _D), lambda c, i: (i, 0)),
            pl.BlockSpec((_D, _D), full),
            pl.BlockSpec((1, _D), full),
            pl.BlockSpec((_D, _D), full),
            pl.BlockSpec((1, _D), full),
        ],
        out_specs=pl.BlockSpec((1, _BLK, _D), lambda c, i: (c, i, 0)),
        out_shape=jax.ShapeDtypeStruct((_NC, _N, _D), jnp.float32),
    )(h, w1, b1.reshape(1, _D), w2, b2.reshape(1, _D))


def _upd_body(h_ref, p_ref, u1h_ref, u1a_ref, b1_ref, u2_ref,
              b2_ref, o_ref):
    aggr = p_ref[0] + p_ref[1]
    t = jnp.dot(h_ref[...], u1h_ref[...], preferred_element_type=jnp.float32)
    t += jnp.dot(aggr, u1a_ref[...], preferred_element_type=jnp.float32)
    t = jnp.maximum(t + b1_ref[...], 0.0)
    o_ref[...] = (
        jnp.dot(t, u2_ref[...], preferred_element_type=jnp.float32)
        + b2_ref[...]
    )


def _upd_mlp(h, parts, u1h, u1a, b1, u2, b2):
    full = lambda i: (0, 0)
    return pl.pallas_call(
        _upd_body,
        grid=(_N // _BLK,),
        in_specs=[
            pl.BlockSpec((_BLK, _D), lambda i: (i, 0)),
            pl.BlockSpec((_NC, _BLK, _D), lambda i: (0, i, 0)),
            pl.BlockSpec((_D, _D), full),
            pl.BlockSpec((_D, _D), full),
            pl.BlockSpec((1, _D), full),
            pl.BlockSpec((_D, _D), full),
            pl.BlockSpec((1, _D), full),
        ],
        out_specs=pl.BlockSpec((_BLK, _D), lambda i: (i, 0)),
        out_shape=jax.ShapeDtypeStruct((_N, _D), jnp.float32),
    )(h, parts, u1h, u1a, b1.reshape(1, _D), u2, b2.reshape(1, _D))


def _sc_edge_body(m_hbm, srcp_hbm, dstp_hbm, zeros_hbm, out_hbm,
                  acc, src_v, dst_v, rows_v, sem):
    c = lax.axis_index("c")
    s = lax.axis_index("s")
    wid = s * _NC + c

    pltpu.sync_copy(zeros_hbm.at[pl.ds(s * _RPS, _RPS)],
                    acc.at[pl.ds(s * _RPS, _RPS)])

    pltpu.sync_copy(srcp_hbm.at[c, wid], src_v)
    pltpu.sync_copy(dstp_hbm.at[wid], dst_v)

    plsc.subcore_barrier()

    def chunk(j, carry):
        pltpu.async_copy(m_hbm.at[src_v.at[j]], rows_v, sem).wait()
        pltpu.sync_copy(rows_v, acc.at[dst_v.at[j]], add=True)
        return carry

    lax.fori_loop(0, _CH, chunk, 0)

    plsc.subcore_barrier()

    pltpu.sync_copy(acc.at[pl.ds(s * _RPS, _RPS)],
                    out_hbm.at[c, pl.ds(s * _RPS, _RPS)])


@functools.partial(
    pl.kernel,
    out_type=jax.ShapeDtypeStruct((_NC, _ACC, _D), jnp.float32),
    mesh=plsc.VectorSubcoreMesh(core_axis_name="c", subcore_axis_name="s"),
    scratch_types=[
        pltpu.VMEM_SHARED((_ACC, _D), jnp.float32),
        pltpu.VMEM((_CH, _K), jnp.int32),
        pltpu.VMEM((_CH, _K), jnp.int32),
        pltpu.VMEM((_K, _D), jnp.float32),
        pltpu.SemaphoreType.DMA,
    ],
)
def _sc_edge(m_hbm, srcp_hbm, dstp_hbm, zeros_hbm, out_hbm,
             acc, src_v, dst_v, rows_v, sem):
    _sc_edge_body(m_hbm, srcp_hbm, dstp_hbm, zeros_hbm, out_hbm,
                  acc, src_v, dst_v, rows_v, sem)


def kernel(x, edge_index, batch, params):
    src = edge_index[0].astype(jnp.int32)
    dst = edge_index[1].astype(jnp.int32)
    pad = _NW * _EPW - _E
    srcp = jnp.concatenate([src, jnp.zeros((pad,), jnp.int32)])
    srcp = srcp.reshape(_NW, _CH, _K)
    srcp = jnp.stack([srcp, srcp + _N])
    dstp = jnp.concatenate([dst, jnp.full((pad,), _TRASH, jnp.int32)])
    dstp = dstp.reshape(_NW, _CH, _K)
    zeros = jnp.zeros((_ACC, _D), jnp.float32)

    h = x
    for p in params:
        m = _msg_mlp(h, p['msg_W1'], p['msg_b1'], p['msg_W2'], p['msg_b2'])
        parts = _sc_edge(m.reshape(_NC * _N, _D), srcp, dstp, zeros)
        h = _upd_mlp(h, parts, p['upd_W1'][:_D], p['upd_W1'][_D:],
                     p['upd_b1'], p['upd_W2'], p['upd_b2'])
    return h

# --- scband reference (transcript-rebuilt; emitter-appended) ---
"""Pipeline reference for scband-mplseq-27238682591990 (READ-ONLY COPY).

The authoritative reference and input builder live on the scoring server;
editing this copy changes nothing except your own understanding.
"""

import jax, jax.numpy as jnp
import numpy as np

N = 10000
E = 320000
D_IN = 128
D_HID = 128
D_OUT = 128
N_MPL = 2
N_GRAPHS = 64


def _glorot(key, a, b):
    return jax.random.normal(key, (a, b), jnp.float32) * (1.0 / np.sqrt(a))


def _init_params(key):
    feats = [D_IN] + [D_HID] * N_MPL + [D_OUT]
    params = []
    for i in range(len(feats) - 1):
        fi, fo = feats[i], feats[i + 1]
        key, k0, k1, k2, k3 = jax.random.split(key, 5)
        params.append({
            'msg_W1': _glorot(k0, fi, D_HID),
            'msg_b1': jnp.zeros((D_HID,), jnp.float32),
            'msg_W2': _glorot(k1, D_HID, fo),
            'msg_b2': jnp.zeros((fo,), jnp.float32),
            'upd_W1': _glorot(k2, fi + fo, D_HID),
            'upd_b1': jnp.zeros((D_HID,), jnp.float32),
            'upd_W2': _glorot(k3, D_HID, fo),
            'upd_b2': jnp.zeros((fo,), jnp.float32),
        })
    return params


def setup_inputs(seed: int = 0) -> dict:
    key = jax.random.key(seed)
    k1, k2, k3, k4 = jax.random.split(key, 4)
    x = jax.random.normal(k1, (N, D_IN), jnp.float32)
    edge_index = jax.random.randint(k2, (2, E), 0, N, dtype=jnp.int32)
    batch = jnp.sort(jax.random.randint(k3, (N,), 0, N_GRAPHS, dtype=jnp.int32))
    params = _init_params(k4)
    return {'x': x, 'edge_index': edge_index, 'batch': batch, 'params': params}


def _deep_conv(p, x, src, dst):
    # message nn on gathered source node features (2-layer MLP, ReLU)
    m = jnp.maximum(jnp.take(x, src, axis=0) @ p['msg_W1'] + p['msg_b1'], 0.0)
    m = m @ p['msg_W2'] + p['msg_b2']
    # sum aggregation at destination nodes (scatter-add)
    aggr = jax.ops.segment_sum(m, dst, num_segments=x.shape[0])
    # update nn on [x, aggregated messages]
    h = jnp.concatenate([x, aggr], axis=-1)
    h = jnp.maximum(h @ p['upd_W1'] + p['upd_b1'], 0.0)
    return h @ p['upd_W2'] + p['upd_b2']


def reference(x, edge_index, batch, params):
    src, dst = edge_index[0], edge_index[1]
    h = x
    for p in params:
        h = _deep_conv(p, h, src, dst)
    return h

if __name__ == "__main__":
    import jax
    _d = setup_inputs()
    print(jax.jit(kernel)(*tuple(_d.values())))

</pallas_src>

<mosaic_0001>
#map = affine_map<(d0, d1) -> (0, 0)>
#map1 = affine_map<(d0, d1) -> (0, 0, 0, 0)>
#map2 = affine_map<(d0, d1) -> (0, 0, 0)>
module attributes {stable_mosaic.version = 14 : i64} {
  func.func @_sc_edge(%arg0: i32, %arg1: i32, %arg2: memref<20000x128xf32, #tpu.memory_space<hbm>>, %arg3: memref<2x32x79x128xi32, #tpu.memory_space<hbm>>, %arg4: memref<32x79x128xi32, #tpu.memory_space<hbm>>, %arg5: memref<10240x128xf32, #tpu.memory_space<hbm>>, %arg6: memref<2x10240x128xf32, #tpu.memory_space<hbm>>, %arg7: memref<10240x128xf32, #tpu.memory_space<vmem_shared>>, %arg8: memref<79x128xi32, #tpu.memory_space<vmem>>, %arg9: memref<79x128xi32, #tpu.memory_space<vmem>>, %arg10: memref<128x128xf32, #tpu.memory_space<vmem>>, %arg11: memref<!tpu.dma_semaphore, #tpu.memory_space<semaphore_mem>>) attributes {dimension_semantics = [#tpu.dimension_semantics<core_parallel>, #tpu.dimension_semantics<subcore_parallel>], iteration_bounds = array<i64: 2, 16>, scalar_prefetch = 0 : i64, scratch_operands = 5 : i64, tpu.core_type = #tpu.core_type<sc_vector_subcore>, window_params = [{transform_indices = #map}, {transform_indices = #map1}, {transform_indices = #map2}, {transform_indices = #map}, {transform_indices = #map2}]} {
    %mul3A = arith.constant 2 : i32
    %mul3A_0 = arith.muli %arg1, %mul3A : i32
    %add3A = arith.addi %mul3A_0, %arg0 : i32
    %mul3A_1 = arith.constant 640 : i32
    %mul3A_2 = arith.muli %arg1, %mul3A_1 : i32
    %mul3A_3 = arith.constant 640 : i32
    %mul3A_4 = arith.muli %arg1, %mul3A_3 : i32
    "tpu.region"() ({
      %run_scoped3A = tpu.sem_alloc : memref<!tpu.dma_semaphore, #tpu.memory_space<semaphore_mem>>
      %dma_start3A = arith.constant 0 : i32
      %dma_start3A_15 = tpu.memref_slice %arg7[%mul3A_4, %dma_start3A] : memref<10240x128xf32, #tpu.memory_space<vmem_shared>> -> memref<640x128xf32, #tpu.memory_space<vmem_shared>>
      %dma_start3A_16 = arith.constant 0 : i32
      %dma_start3A_17 = tpu.memref_slice %arg5[%mul3A_2, %dma_start3A_16] : memref<10240x128xf32, #tpu.memory_space<hbm>> -> memref<640x128xf32, #tpu.memory_space<hbm>>
      tpu.enqueue_dma source(%dma_start3A_17 : memref<640x128xf32, #tpu.memory_space<hbm>>) target(%dma_start3A_15 : memref<640x128xf32, #tpu.memory_space<vmem_shared>>) target_semaphore(%run_scoped3A : memref<!tpu.dma_semaphore, #tpu.memory_space<semaphore_mem>>)
      %dma_wait3A = arith.constant 0 : i32
      %dma_wait3A_18 = tpu.memref_slice %arg7[%mul3A_4, %dma_wait3A] : memref<10240x128xf32, #tpu.memory_space<vmem_shared>> -> memref<640x128xf32, #tpu.memory_space<vmem_shared>>
      %dma_wait3A_19 = arith.constant 0 : i32
      %dma_wait3A_20 = tpu.memref_slice %arg5[%mul3A_2, %dma_wait3A_19] : memref<10240x128xf32, #tpu.memory_space<hbm>> -> memref<640x128xf32, #tpu.memory_space<hbm>>
      tpu.wait_dma2 semaphore(%run_scoped3A : memref<!tpu.dma_semaphore, #tpu.memory_space<semaphore_mem>>) src(%dma_wait3A_20 : memref<640x128xf32, #tpu.memory_space<hbm>>) dst(%dma_wait3A_18 : memref<640x128xf32, #tpu.memory_space<vmem_shared>>)
      tpu.yield
    }) : () -> ()
    "tpu.region"() ({
      %run_scoped3A = tpu.sem_alloc : memref<!tpu.dma_semaphore, #tpu.memory_space<semaphore_mem>>
      %dma_start3A = arith.constant 0 : i32
      %dma_start3A_15 = arith.constant 0 : i32
      %dma_start3A_16 = tpu.memref_slice %arg3[%arg0, %add3A, %dma_start3A, %dma_start3A_15] : memref<2x32x79x128xi32, #tpu.memory_space<hbm>> -> memref<1x1x79x128xi32, #tpu.memory_space<hbm>>
      %dma_start3A_17 = tpu.memref_squeeze %dma_start3A_16 : memref<1x1x79x128xi32, #tpu.memory_space<hbm>> -> memref<79x128xi32, #tpu.memory_space<hbm>>
      %dma_start3A_18 = arith.constant 0 : i32
      %dma_start3A_19 = arith.constant 0 : i32
      %dma_start3A_20 = tpu.memref_slice %arg3[%arg0, %add3A, %dma_start3A_18, %dma_start3A_19] : memref<2x32x79x128xi32, #tpu.memory_space<hbm>> -> memref<1x1x79x128xi32, #tpu.memory_space<hbm>>
      %dma_start3A_21 = tpu.memref_squeeze %dma_start3A_20 : memref<1x1x79x128xi32, #tpu.memory_space<hbm>> -> memref<79x128xi32, #tpu.memory_space<hbm>>
      tpu.enqueue_dma source(%dma_start3A_21 : memref<79x128xi32, #tpu.memory_space<hbm>>) target(%arg8 : memref<79x128xi32, #tpu.memory_space<vmem>>) target_semaphore(%run_scoped3A : memref<!tpu.dma_semaphore, #tpu.memory_space<semaphore_mem>>)
      %dma_wait3A = arith.constant 0 : i32
      %dma_wait3A_22 = arith.constant 0 : i32
      %dma_wait3A_23 = tpu.memref_slice %arg3[%arg0, %add3A, %dma_wait3A, %dma_wait3A_22] : memref<2x32x79x128xi32, #tpu.memory_space<hbm>> -> memref<1x1x79x128xi32, #tpu.memory_space<hbm>>
      %dma_wait3A_24 = tpu.memref_squeeze %dma_wait3A_23 : memref<1x1x79x128xi32, #tpu.memory_space<hbm>> -> memref<79x128xi32, #tpu.memory_space<hbm>>
      %dma_wait3A_25 = arith.constant 0 : i32
      %dma_wait3A_26 = arith.constant 0 : i32
      %dma_wait3A_27 = tpu.memref_slice %arg3[%arg0, %add3A, %dma_wait3A_25, %dma_wait3A_26] : memref<2x32x79x128xi32, #tpu.memory_space<hbm>> -> memref<1x1x79x128xi32, #tpu.memory_space<hbm>>
      %dma_wait3A_28 = tpu.memref_squeeze %dma_wait3A_27 : memref<1x1x79x128xi32, #tpu.memory_space<hbm>> -> memref<79x128xi32, #tpu.memory_space<hbm>>
      tpu.wait_dma2 semaphore(%run_scoped3A : memref<!tpu.dma_semaphore, #tpu.memory_space<semaphore_mem>>) src(%dma_wait3A_28 : memref<79x128xi32, #tpu.memory_space<hbm>>) dst(%arg8 : memref<79x128xi32, #tpu.memory_space<vmem>>)
      tpu.yield
    }) : () -> ()
    "tpu.region"() ({
      %run_scoped3A = tpu.sem_alloc : memref<!tpu.dma_semaphore, #tpu.memory_space<semaphore_mem>>
      %dma_start3A = arith.constant 0 : i32
      %dma_start3A_15 = arith.constant 0 : i32
      %dma_start3A_16 = tpu.memref_slice %arg4[%add3A, %dma_start3A, %dma_start3A_15] : memref<32x79x128xi32, #tpu.memory_space<hbm>> -> memref<1x79x128xi32, #tpu.memory_space<hbm>>
      %dma_start3A_17 = tpu.memref_squeeze %dma_start3A_16 : memref<1x79x128xi32, #tpu.memory_space<hbm>> -> memref<79x128xi32, #tpu.memory_space<hbm>>
      %dma_start3A_18 = arith.constant 0 : i32
      %dma_start3A_19 = arith.constant 0 : i32
      %dma_start3A_20 = tpu.memref_slice %arg4[%add3A, %dma_start3A_18, %dma_start3A_19] : memref<32x79x128xi32, #tpu.memory_space<hbm>> -> memref<1x79x128xi32, #tpu.memory_space<hbm>>
      %dma_start3A_21 = tpu.memref_squeeze %dma_start3A_20 : memref<1x79x128xi32, #tpu.memory_space<hbm>> -> memref<79x128xi32, #tpu.memory_space<hbm>>
      tpu.enqueue_dma source(%dma_start3A_21 : memref<79x128xi32, #tpu.memory_space<hbm>>) target(%arg9 : memref<79x128xi32, #tpu.memory_space<vmem>>) target_semaphore(%run_scoped3A : memref<!tpu.dma_semaphore, #tpu.memory_space<semaphore_mem>>)
      %dma_wait3A = arith.constant 0 : i32
      %dma_wait3A_22 = arith.constant 0 : i32
      %dma_wait3A_23 = tpu.memref_slice %arg4[%add3A, %dma_wait3A, %dma_wait3A_22] : memref<32x79x128xi32, #tpu.memory_space<hbm>> -> memref<1x79x128xi32, #tpu.memory_space<hbm>>
      %dma_wait3A_24 = tpu.memref_squeeze %dma_wait3A_23 : memref<1x79x128xi32, #tpu.memory_space<hbm>> -> memref<79x128xi32, #tpu.memory_space<hbm>>
      %dma_wait3A_25 = arith.constant 0 : i32
      %dma_wait3A_26 = arith.constant 0 : i32
      %dma_wait3A_27 = tpu.memref_slice %arg4[%add3A, %dma_wait3A_25, %dma_wait3A_26] : memref<32x79x128xi32, #tpu.memory_space<hbm>> -> memref<1x79x128xi32, #tpu.memory_space<hbm>>
      %dma_wait3A_28 = tpu.memref_squeeze %dma_wait3A_27 : memref<1x79x128xi32, #tpu.memory_space<hbm>> -> memref<79x128xi32, #tpu.memory_space<hbm>>
      tpu.wait_dma2 semaphore(%run_scoped3A : memref<!tpu.dma_semaphore, #tpu.memory_space<semaphore_mem>>) src(%dma_wait3A_28 : memref<79x128xi32, #tpu.memory_space<hbm>>) dst(%arg9 : memref<79x128xi32, #tpu.memory_space<vmem>>)
      tpu.yield
    }) : () -> ()
    %barrier3A = arith.constant 0 : index
    tpu.barrier barrier_id(%barrier3A)
    %scan3A = arith.constant 0 : i32
    %scan3A_5 = arith.constant 0 : i32
    %scan3A_6 = arith.constant 79 : i32
    %scan3A_7 = arith.addi %scan3A_5, %scan3A_6 : i32
    %scan3A_8 = arith.constant 1 : i32
    scf.for %scan3A_15 = %scan3A_5 to %scan3A_7 step %scan3A_8  : i32 {
      %dma_start3A = arith.constant 0 : i32
      %dma_start3A_16 = tpu.memref_slice %arg8[%scan3A_15, %dma_start3A] : memref<79x128xi32, #tpu.memory_space<vmem>> -> memref<1x128xi32, #tpu.memory_space<vmem>>
      %dma_start3A_17 = tpu.memref_squeeze %dma_start3A_16 : memref<1x128xi32, #tpu.memory_space<vmem>> -> memref<128xi32, #tpu.memory_space<vmem>>
      %dma_start3A_18 = arith.constant 0 : i32
      %dma_start3A_19 = arith.constant 0 : i32
      %dma_start3A_20 = tpu.memref_slice %arg2[%dma_start3A_18, %dma_start3A_19] : memref<20000x128xf32, #tpu.memory_space<hbm>> -> memref<20000x128xf32, #tpu.memory_space<hbm>>
      tpu.enqueue_indirect_dma source(%dma_start3A_20 : memref<20000x128xf32, #tpu.memory_space<hbm>>) target(%arg10 : memref<128x128xf32, #tpu.memory_space<vmem>>) offsets(%dma_start3A_17 : memref<128xi32, #tpu.memory_space<vmem>>) semaphore(%arg11 : memref<!tpu.dma_semaphore, #tpu.memory_space<semaphore_mem>>)
      %dma_wait3A = arith.constant 0 : i32
      %dma_wait3A_21 = tpu.memref_slice %arg8[%scan3A_15, %dma_wait3A] : memref<79x128xi32, #tpu.memory_space<vmem>> -> memref<1x128xi32, #tpu.memory_space<vmem>>
      %dma_wait3A_22 = tpu.memref_squeeze %dma_wait3A_21 : memref<1x128xi32, #tpu.memory_space<vmem>> -> memref<128xi32, #tpu.memory_space<vmem>>
      %dma_wait3A_23 = arith.constant 0 : i32
      %dma_wait3A_24 = arith.constant 0 : i32
      %dma_wait3A_25 = tpu.memref_slice %arg2[%dma_wait3A_23, %dma_wait3A_24] : memref<20000x128xf32, #tpu.memory_space<hbm>> -> memref<20000x128xf32, #tpu.memory_space<hbm>>
      tpu.wait_indirect_dma semaphore(%arg11 : memref<!tpu.dma_semaphore, #tpu.memory_space<semaphore_mem>>) src(%dma_wait3A_25 : memref<20000x128xf32, #tpu.memory_space<hbm>>) dst(%arg10 : memref<128x128xf32, #tpu.memory_space<vmem>>)
      "tpu.region"() ({
        %run_scoped3A = tpu.sem_alloc : memref<!tpu.dma_semaphore, #tpu.memory_space<semaphore_mem>>
        %dma_start3A_26 = arith.constant 0 : i32
        %dma_start3A_27 = tpu.memref_slice %arg9[%scan3A_15, %dma_start3A_26] : memref<79x128xi32, #tpu.memory_space<vmem>> -> memref<1x128xi32, #tpu.memory_space<vmem>>
        %dma_start3A_28 = tpu.memref_squeeze %dma_start3A_27 : memref<1x128xi32, #tpu.memory_space<vmem>> -> memref<128xi32, #tpu.memory_space<vmem>>
        %dma_start3A_29 = arith.constant 0 : i32
        %dma_start3A_30 = arith.constant 0 : i32
        %dma_start3A_31 = tpu.memref_slice %arg7[%dma_start3A_29, %dma_start3A_30] : memref<10240x128xf32, #tpu.memory_space<vmem_shared>> -> memref<10240x128xf32, #tpu.memory_space<vmem_shared>>
        tpu.enqueue_indirect_dma source(%arg10 : memref<128x128xf32, #tpu.memory_space<vmem>>) target(%dma_start3A_31 : memref<10240x128xf32, #tpu.memory_space<vmem_shared>>) offsets(%dma_start3A_28 : memref<128xi32, #tpu.memory_space<vmem>>) semaphore(%run_scoped3A : memref<!tpu.dma_semaphore, #tpu.memory_space<semaphore_mem>>) {add = true}
        %dma_wait3A_32 = arith.constant 0 : i32
        %dma_wait3A_33 = tpu.memref_slice %arg9[%scan3A_15, %dma_wait3A_32] : memref<79x128xi32, #tpu.memory_space<vmem>> -> memref<1x128xi32, #tpu.memory_space<vmem>>
        %dma_wait3A_34 = tpu.memref_squeeze %dma_wait3A_33 : memref<1x128xi32, #tpu.memory_space<vmem>> -> memref<128xi32, #tpu.memory_space<vmem>>
        %dma_wait3A_35 = arith.constant 0 : i32
        %dma_wait3A_36 = arith.constant 0 : i32
        %dma_wait3A_37 = tpu.memref_slice %arg7[%dma_wait3A_35, %dma_wait3A_36] : memref<10240x128xf32, #tpu.memory_space<vmem_shared>> -> memref<10240x128xf32, #tpu.memory_space<vmem_shared>>
        tpu.wait_indirect_dma semaphore(%run_scoped3A : memref<!tpu.dma_semaphore, #tpu.memory_space<semaphore_mem>>) src(%arg10 : memref<128x128xf32, #tpu.memory_space<vmem>>) dst(%dma_wait3A_37 : memref<10240x128xf32, #tpu.memory_space<vmem_shared>>)
        tpu.yield
      }) : () -> ()
    }
    %scan3A_9 = arith.constant 79 : i32
    %barrier3A_10 = arith.constant 0 : index
    tpu.barrier barrier_id(%barrier3A_10)
    %mul3A_11 = arith.constant 640 : i32
    %mul3A_12 = arith.muli %arg1, %mul3A_11 : i32
    %mul3A_13 = arith.constant 640 : i32
    %mul3A_14 = arith.muli %arg1, %mul3A_13 : i32
    "tpu.region"() ({
      %run_scoped3A = tpu.sem_alloc : memref<!tpu.dma_semaphore, #tpu.memory_space<semaphore_mem>>
      %dma_start3A = arith.constant 0 : i32
      %dma_start3A_15 = tpu.memref_slice %arg6[%arg0, %mul3A_14, %dma_start3A] : memref<2x10240x128xf32, #tpu.memory_space<hbm>> -> memref<1x640x128xf32, #tpu.memory_space<hbm>>
      %dma_start3A_16 = tpu.memref_squeeze %dma_start3A_15 : memref<1x640x128xf32, #tpu.memory_space<hbm>> -> memref<640x128xf32, #tpu.memory_space<hbm>>
      %dma_start3A_17 = arith.constant 0 : i32
      %dma_start3A_18 = tpu.memref_slice %arg7[%mul3A_12, %dma_start3A_17] : memref<10240x128xf32, #tpu.memory_space<vmem_shared>> -> memref<640x128xf32, #tpu.memory_space<vmem_shared>>
      tpu.enqueue_dma source(%dma_start3A_18 : memref<640x128xf32, #tpu.memory_space<vmem_shared>>) target(%dma_start3A_16 : memref<640x128xf32, #tpu.memory_space<hbm>>) target_semaphore(%run_scoped3A : memref<!tpu.dma_semaphore, #tpu.memory_space<semaphore_mem>>)
      %dma_wait3A = arith.constant 0 : i32
      %dma_wait3A_19 = tpu.memref_slice %arg6[%arg0, %mul3A_14, %dma_wait3A] : memref<2x10240x128xf32, #tpu.memory_space<hbm>> -> memref<1x640x128xf32, #tpu.memory_space<hbm>>
      %dma_wait3A_20 = tpu.memref_squeeze %dma_wait3A_19 : memref<1x640x128xf32, #tpu.memory_space<hbm>> -> memref<640x128xf32, #tpu.memory_space<hbm>>
      %dma_wait3A_21 = arith.constant 0 : i32
      %dma_wait3A_22 = tpu.memref_slice %arg7[%mul3A_12, %dma_wait3A_21] : memref<10240x128xf32, #tpu.memory_space<vmem_shared>> -> memref<640x128xf32, #tpu.memory_space<vmem_shared>>
      tpu.wait_dma2 semaphore(%run_scoped3A : memref<!tpu.dma_semaphore, #tpu.memory_space<semaphore_mem>>) src(%dma_wait3A_22 : memref<640x128xf32, #tpu.memory_space<vmem_shared>>) dst(%dma_wait3A_20 : memref<640x128xf32, #tpu.memory_space<hbm>>)
      tpu.yield
    }) : () -> ()
    return
  }
}

#map = affine_map<(d0, d1) -> (0, 0)>
#map1 = affine_map<(d0, d1) -> (0, 0, 0, 0)>
#map2 = affine_map<(d0, d1) -> (0, 0, 0)>
module attributes {stable_mosaic.version = 14 : i64} {
  func.func @_sc_edge(%arg0: i32, %arg1: i32, %arg2: memref<20000x128xf32, #tpu.memory_space<hbm>>, %arg3: memref<2x32x79x128xi32, #tpu.memory_space<hbm>>, %arg4: memref<32x79x128xi32, #tpu.memory_space<hbm>>, %arg5: memref<10240x128xf32, #tpu.memory_space<hbm>>, %arg6: memref<2x10240x128xf32, #tpu.memory_space<hbm>>, %arg7: memref<10240x128xf32, #tpu.memory_space<vmem_shared>>, %arg8: memref<79x128xi32, #tpu.memory_space<vmem>>, %arg9: memref<79x128xi32, #tpu.memory_space<vmem>>, %arg10: memref<128x128xf32, #tpu.memory_space<vmem>>, %arg11: memref<!tpu.dma_semaphore, #tpu.memory_space<semaphore_mem>>) attributes {dimension_semantics = [#tpu.dimension_semantics<core_parallel>, #tpu.dimension_semantics<subcore_parallel>], iteration_bounds = array<i64: 2, 16>, scalar_prefetch = 0 : i64, scratch_operands = 5 : i64, tpu.core_type = #tpu.core_type<sc_vector_subcore>, window_params = [{transform_indices = #map}, {transform_indices = #map1}, {transform_indices = #map2}, {transform_indices = #map}, {transform_indices = #map2}]} {
    %mul3A = arith.constant 2 : i32
    %mul3A_0 = arith.muli %arg1, %mul3A : i32
    %add3A = arith.addi %mul3A_0, %arg0 : i32
    %mul3A_1 = arith.constant 640 : i32
    %mul3A_2 = arith.muli %arg1, %mul3A_1 : i32
    %mul3A_3 = arith.constant 640 : i32
    %mul3A_4 = arith.muli %arg1, %mul3A_3 : i32
    "tpu.region"() ({
      %run_scoped3A = tpu.sem_alloc : memref<!tpu.dma_semaphore, #tpu.memory_space<semaphore_mem>>
      %dma_start3A = arith.constant 0 : i32
      %dma_start3A_15 = tpu.memref_slice %arg7[%mul3A_4, %dma_start3A] : memref<10240x128xf32, #tpu.memory_space<vmem_shared>> -> memref<640x128xf32, #tpu.memory_space<vmem_shared>>
      %dma_start3A_16 = arith.constant 0 : i32
      %dma_start3A_17 = tpu.memref_slice %arg5[%mul3A_2, %dma_start3A_16] : memref<10240x128xf32, #tpu.memory_space<hbm>> -> memref<640x128xf32, #tpu.memory_space<hbm>>
      tpu.enqueue_dma source(%dma_start3A_17 : memref<640x128xf32, #tpu.memory_space<hbm>>) target(%dma_start3A_15 : memref<640x128xf32, #tpu.memory_space<vmem_shared>>) target_semaphore(%run_scoped3A : memref<!tpu.dma_semaphore, #tpu.memory_space<semaphore_mem>>)
      %dma_wait3A = arith.constant 0 : i32
      %dma_wait3A_18 = tpu.memref_slice %arg7[%mul3A_4, %dma_wait3A] : memref<10240x128xf32, #tpu.memory_space<vmem_shared>> -> memref<640x128xf32, #tpu.memory_space<vmem_shared>>
      %dma_wait3A_19 = arith.constant 0 : i32
      %dma_wait3A_20 = tpu.memref_slice %arg5[%mul3A_2, %dma_wait3A_19] : memref<10240x128xf32, #tpu.memory_space<hbm>> -> memref<640x128xf32, #tpu.memory_space<hbm>>
      tpu.wait_dma2 semaphore(%run_scoped3A : memref<!tpu.dma_semaphore, #tpu.memory_space<semaphore_mem>>) src(%dma_wait3A_20 : memref<640x128xf32, #tpu.memory_space<hbm>>) dst(%dma_wait3A_18 : memref<640x128xf32, #tpu.memory_space<vmem_shared>>)
      tpu.yield
    }) : () -> ()
    "tpu.region"() ({
      %run_scoped3A = tpu.sem_alloc : memref<!tpu.dma_semaphore, #tpu.memory_space<semaphore_mem>>
      %dma_start3A = arith.constant 0 : i32
      %dma_start3A_15 = arith.constant 0 : i32
      %dma_start3A_16 = tpu.memref_slice %arg3[%arg0, %add3A, %dma_start3A, %dma_start3A_15] : memref<2x32x79x128xi32, #tpu.memory_space<hbm>> -> memref<1x1x79x128xi32, #tpu.memory_space<hbm>>
      %dma_start3A_17 = tpu.memref_squeeze %dma_start3A_16 : memref<1x1x79x128xi32, #tpu.memory_space<hbm>> -> memref<79x128xi32, #tpu.memory_space<hbm>>
      %dma_start3A_18 = arith.constant 0 : i32
      %dma_start3A_19 = arith.constant 0 : i32
      %dma_start3A_20 = tpu.memref_slice %arg3[%arg0, %add3A, %dma_start3A_18, %dma_start3A_19] : memref<2x32x79x128xi32, #tpu.memory_space<hbm>> -> memref<1x1x79x128xi32, #tpu.memory_space<hbm>>
      %dma_start3A_21 = tpu.memref_squeeze %dma_start3A_20 : memref<1x1x79x128xi32, #tpu.memory_space<hbm>> -> memref<79x128xi32, #tpu.memory_space<hbm>>
      tpu.enqueue_dma source(%dma_start3A_21 : memref<79x128xi32, #tpu.memory_space<hbm>>) target(%arg8 : memref<79x128xi32, #tpu.memory_space<vmem>>) target_semaphore(%run_scoped3A : memref<!tpu.dma_semaphore, #tpu.memory_space<semaphore_mem>>)
      %dma_wait3A = arith.constant 0 : i32
      %dma_wait3A_22 = arith.constant 0 : i32
      %dma_wait3A_23 = tpu.memref_slice %arg3[%arg0, %add3A, %dma_wait3A, %dma_wait3A_22] : memref<2x32x79x128xi32, #tpu.memory_space<hbm>> -> memref<1x1x79x128xi32, #tpu.memory_space<hbm>>
      %dma_wait3A_24 = tpu.memref_squeeze %dma_wait3A_23 : memref<1x1x79x128xi32, #tpu.memory_space<hbm>> -> memref<79x128xi32, #tpu.memory_space<hbm>>
      %dma_wait3A_25 = arith.constant 0 : i32
      %dma_wait3A_26 = arith.constant 0 : i32
      %dma_wait3A_27 = tpu.memref_slice %arg3[%arg0, %add3A, %dma_wait3A_25, %dma_wait3A_26] : memref<2x32x79x128xi32, #tpu.memory_space<hbm>> -> memref<1x1x79x128xi32, #tpu.memory_space<hbm>>
      %dma_wait3A_28 = tpu.memref_squeeze %dma_wait3A_27 : memref<1x1x79x128xi32, #tpu.memory_space<hbm>> -> memref<79x128xi32, #tpu.memory_space<hbm>>
      tpu.wait_dma2 semaphore(%run_scoped3A : memref<!tpu.dma_semaphore, #tpu.memory_space<semaphore_mem>>) src(%dma_wait3A_28 : memref<79x128xi32, #tpu.memory_space<hbm>>) dst(%arg8 : memref<79x128xi32, #tpu.memory_space<vmem>>)
      tpu.yield
    }) : () -> ()
    "tpu.region"() ({
      %run_scoped3A = tpu.sem_alloc : memref<!tpu.dma_semaphore, #tpu.memory_space<semaphore_mem>>
      %dma_start3A = arith.constant 0 : i32
      %dma_start3A_15 = arith.constant 0 : i32
      %dma_start3A_16 = tpu.memref_slice %arg4[%add3A, %dma_start3A, %dma_start3A_15] : memref<32x79x128xi32, #tpu.memory_space<hbm>> -> memref<1x79x128xi32, #tpu.memory_space<hbm>>
      %dma_start3A_17 = tpu.memref_squeeze %dma_start3A_16 : memref<1x79x128xi32, #tpu.memory_space<hbm>> -> memref<79x128xi32, #tpu.memory_space<hbm>>
      %dma_start3A_18 = arith.constant 0 : i32
      %dma_start3A_19 = arith.constant 0 : i32
      %dma_start3A_20 = tpu.memref_slice %arg4[%add3A, %dma_start3A_18, %dma_start3A_19] : memref<32x79x128xi32, #tpu.memory_space<hbm>> -> memref<1x79x128xi32, #tpu.memory_space<hbm>>
      %dma_start3A_21 = tpu.memref_squeeze %dma_start3A_20 : memref<1x79x128xi32, #tpu.memory_space<hbm>> -> memref<79x128xi32, #tpu.memory_space<hbm>>
      tpu.enqueue_dma source(%dma_start3A_21 : memref<79x128xi32, #tpu.memory_space<hbm>>) target(%arg9 : memref<79x128xi32, #tpu.memory_space<vmem>>) target_semaphore(%run_scoped3A : memref<!tpu.dma_semaphore, #tpu.memory_space<semaphore_mem>>)
      %dma_wait3A = arith.constant 0 : i32
      %dma_wait3A_22 = arith.constant 0 : i32
      %dma_wait3A_23 = tpu.memref_slice %arg4[%add3A, %dma_wait3A, %dma_wait3A_22] : memref<32x79x128xi32, #tpu.memory_space<hbm>> -> memref<1x79x128xi32, #tpu.memory_space<hbm>>
      %dma_wait3A_24 = tpu.memref_squeeze %dma_wait3A_23 : memref<1x79x128xi32, #tpu.memory_space<hbm>> -> memref<79x128xi32, #tpu.memory_space<hbm>>
      %dma_wait3A_25 = arith.constant 0 : i32
      %dma_wait3A_26 = arith.constant 0 : i32
      %dma_wait3A_27 = tpu.memref_slice %arg4[%add3A, %dma_wait3A_25, %dma_wait3A_26] : memref<32x79x128xi32, #tpu.memory_space<hbm>> -> memref<1x79x128xi32, #tpu.memory_space<hbm>>
      %dma_wait3A_28 = tpu.memref_squeeze %dma_wait3A_27 : memref<1x79x128xi32, #tpu.memory_space<hbm>> -> memref<79x128xi32, #tpu.memory_space<hbm>>
      tpu.wait_dma2 semaphore(%run_scoped3A : memref<!tpu.dma_semaphore, #tpu.memory_space<semaphore_mem>>) src(%dma_wait3A_28 : memref<79x128xi32, #tpu.memory_space<hbm>>) dst(%arg9 : memref<79x128xi32, #tpu.memory_space<vmem>>)
      tpu.yield
    }) : () -> ()
    %barrier3A = arith.constant 0 : index
    tpu.barrier barrier_id(%barrier3A)
    %scan3A = arith.constant 0 : i32
    %scan3A_5 = arith.constant 0 : i32
    %scan3A_6 = arith.constant 79 : i32
    %scan3A_7 = arith.addi %scan3A_5, %scan3A_6 : i32
    %scan3A_8 = arith.constant 1 : i32
    scf.for %scan3A_15 = %scan3A_5 to %scan3A_7 step %scan3A_8  : i32 {
      %dma_start3A = arith.constant 0 : i32
      %dma_start3A_16 = tpu.memref_slice %arg8[%scan3A_15, %dma_start3A] : memref<79x128xi32, #tpu.memory_space<vmem>> -> memref<1x128xi32, #tpu.memory_space<vmem>>
      %dma_start3A_17 = tpu.memref_squeeze %dma_start3A_16 : memref<1x128xi32, #tpu.memory_space<vmem>> -> memref<128xi32, #tpu.memory_space<vmem>>
      %dma_start3A_18 = arith.constant 0 : i32
      %dma_start3A_19 = arith.constant 0 : i32
      %dma_start3A_20 = tpu.memref_slice %arg2[%dma_start3A_18, %dma_start3A_19] : memref<20000x128xf32, #tpu.memory_space<hbm>> -> memref<20000x128xf32, #tpu.memory_space<hbm>>
      tpu.enqueue_indirect_dma source(%dma_start3A_20 : memref<20000x128xf32, #tpu.memory_space<hbm>>) target(%arg10 : memref<128x128xf32, #tpu.memory_space<vmem>>) offsets(%dma_start3A_17 : memref<128xi32, #tpu.memory_space<vmem>>) semaphore(%arg11 : memref<!tpu.dma_semaphore, #tpu.memory_space<semaphore_mem>>)
      %dma_wait3A = arith.constant 0 : i32
      %dma_wait3A_21 = tpu.memref_slice %arg8[%scan3A_15, %dma_wait3A] : memref<79x128xi32, #tpu.memory_space<vmem>> -> memref<1x128xi32, #tpu.memory_space<vmem>>
      %dma_wait3A_22 = tpu.memref_squeeze %dma_wait3A_21 : memref<1x128xi32, #tpu.memory_space<vmem>> -> memref<128xi32, #tpu.memory_space<vmem>>
      %dma_wait3A_23 = arith.constant 0 : i32
      %dma_wait3A_24 = arith.constant 0 : i32
      %dma_wait3A_25 = tpu.memref_slice %arg2[%dma_wait3A_23, %dma_wait3A_24] : memref<20000x128xf32, #tpu.memory_space<hbm>> -> memref<20000x128xf32, #tpu.memory_space<hbm>>
      tpu.wait_indirect_dma semaphore(%arg11 : memref<!tpu.dma_semaphore, #tpu.memory_space<semaphore_mem>>) src(%dma_wait3A_25 : memref<20000x128xf32, #tpu.memory_space<hbm>>) dst(%arg10 : memref<128x128xf32, #tpu.memory_space<vmem>>)
      "tpu.region"() ({
        %run_scoped3A = tpu.sem_alloc : memref<!tpu.dma_semaphore, #tpu.memory_space<semaphore_mem>>
        %dma_start3A_26 = arith.constant 0 : i32
        %dma_start3A_27 = tpu.memref_slice %arg9[%scan3A_15, %dma_start3A_26] : memref<79x128xi32, #tpu.memory_space<vmem>> -> memref<1x128xi32, #tpu.memory_space<vmem>>
        %dma_start3A_28 = tpu.memref_squeeze %dma_start3A_27 : memref<1x128xi32, #tpu.memory_space<vmem>> -> memref<128xi32, #tpu.memory_space<vmem>>
        %dma_start3A_29 = arith.constant 0 : i32
        %dma_start3A_30 = arith.constant 0 : i32
        %dma_start3A_31 = tpu.memref_slice %arg7[%dma_start3A_29, %dma_start3A_30] : memref<10240x128xf32, #tpu.memory_space<vmem_shared>> -> memref<10240x128xf32, #tpu.memory_space<vmem_shared>>
        tpu.enqueue_indirect_dma source(%arg10 : memref<128x128xf32, #tpu.memory_space<vmem>>) target(%dma_start3A_31 : memref<10240x128xf32, #tpu.memory_space<vmem_shared>>) offsets(%dma_start3A_28 : memref<128xi32, #tpu.memory_space<vmem>>) semaphore(%run_scoped3A : memref<!tpu.dma_semaphore, #tpu.memory_space<semaphore_mem>>) {add = true}
        %dma_wait3A_32 = arith.constant 0 : i32
        %dma_wait3A_33 = tpu.memref_slice %arg9[%scan3A_15, %dma_wait3A_32] : memref<79x128xi32, #tpu.memory_space<vmem>> -> memref<1x128xi32, #tpu.memory_space<vmem>>
        %dma_wait3A_34 = tpu.memref_squeeze %dma_wait3A_33 : memref<1x128xi32, #tpu.memory_space<vmem>> -> memref<128xi32, #tpu.memory_space<vmem>>
        %dma_wait3A_35 = arith.constant 0 : i32
        %dma_wait3A_36 = arith.constant 0 : i32
        %dma_wait3A_37 = tpu.memref_slice %arg7[%dma_wait3A_35, %dma_wait3A_36] : memref<10240x128xf32, #tpu.memory_space<vmem_shared>> -> memref<10240x128xf32, #tpu.memory_space<vmem_shared>>
        tpu.wait_indirect_dma semaphore(%run_scoped3A : memref<!tpu.dma_semaphore, #tpu.memory_space<semaphore_mem>>) src(%arg10 : memref<128x128xf32, #tpu.memory_space<vmem>>) dst(%dma_wait3A_37 : memref<10240x128xf32, #tpu.memory_space<vmem_shared>>)
        tpu.yield
      }) : () -> ()
    }
    %scan3A_9 = arith.constant 79 : i32
    %barrier3A_10 = arith.constant 0 : index
    tpu.barrier barrier_id(%barrier3A_10)
    %mul3A_11 = arith.constant 640 : i32
    %mul3A_12 = arith.muli %arg1, %mul3A_11 : i32
    %mul3A_13 = arith.constant 640 : i32
    %mul3A_14 = arith.muli %arg1, %mul3A_13 : i32
    "tpu.region"() ({
      %run_scoped3A = tpu.sem_alloc : memref<!tpu.dma_semaphore, #tpu.memory_space<semaphore_mem>>
      %dma_start3A = arith.constant 0 : i32
      %dma_start3A_15 = tpu.memref_slice %arg6[%arg0, %mul3A_14, %dma_start3A] : memref<2x10240x128xf32, #tpu.memory_space<hbm>> -> memref<1x640x128xf32, #tpu.memory_space<hbm>>
      %dma_start3A_16 = tpu.memref_squeeze %dma_start3A_15 : memref<1x640x128xf32, #tpu.memory_space<hbm>> -> memref<640x128xf32, #tpu.memory_space<hbm>>
      %dma_start3A_17 = arith.constant 0 : i32
      %dma_start3A_18 = tpu.memref_slice %arg7[%mul3A_12, %dma_start3A_17] : memref<10240x128xf32, #tpu.memory_space<vmem_shared>> -> memref<640x128xf32, #tpu.memory_space<vmem_shared>>
      tpu.enqueue_dma source(%dma_start3A_18 : memref<640x128xf32, #tpu.memory_space<vmem_shared>>) target(%dma_start3A_16 : memref<640x128xf32, #tpu.memory_space<hbm>>) target_semaphore(%run_scoped3A : memref<!tpu.dma_semaphore, #tpu.memory_space<semaphore_mem>>)
      %dma_wait3A = arith.constant 0 : i32
      %dma_wait3A_19 = tpu.memref_slice %arg6[%arg0, %mul3A_14, %dma_wait3A] : memref<2x10240x128xf32, #tpu.memory_space<hbm>> -> memref<1x640x128xf32, #tpu.memory_space<hbm>>
      %dma_wait3A_20 = tpu.memref_squeeze %dma_wait3A_19 : memref<1x640x128xf32, #tpu.memory_space<hbm>> -> memref<640x128xf32, #tpu.memory_space<hbm>>
      %dma_wait3A_21 = arith.constant 0 : i32
      %dma_wait3A_22 = tpu.memref_slice %arg7[%mul3A_12, %dma_wait3A_21] : memref<10240x128xf32, #tpu.memory_space<vmem_shared>> -> memref<640x128xf32, #tpu.memory_space<vmem_shared>>
      tpu.wait_dma2 semaphore(%run_scoped3A : memref<!tpu.dma_semaphore, #tpu.memory_space<semaphore_mem>>) src(%dma_wait3A_22 : memref<640x128xf32, #tpu.memory_space<vmem_shared>>) dst(%dma_wait3A_20 : memref<640x128xf32, #tpu.memory_space<hbm>>)
      tpu.yield
    }) : () -> ()
    return
  }
}

#map = affine_map<(d0, d1) -> (0, 0)>
#map1 = affine_map<(d0, d1) -> (0, 0, 0, 0)>
#map2 = affine_map<(d0, d1) -> (0, 0, 0)>
module attributes {stable_mosaic.version = 14 : i64} {
  func.func @_sc_edge(%arg0: i32, %arg1: i32, %arg2: memref<20000x128xf32, #tpu.memory_space<hbm>>, %arg3: memref<2x32x79x128xi32, #tpu.memory_space<hbm>>, %arg4: memref<32x79x128xi32, #tpu.memory_space<hbm>>, %arg5: memref<10240x128xf32, #tpu.memory_space<hbm>>, %arg6: memref<2x10240x128xf32, #tpu.memory_space<hbm>>, %arg7: memref<10240x128xf32, #tpu.memory_space<vmem_shared>>, %arg8: memref<79x128xi32, #tpu.memory_space<vmem>>, %arg9: memref<79x128xi32, #tpu.memory_space<vmem>>, %arg10: memref<128x128xf32, #tpu.memory_space<vmem>>, %arg11: memref<!tpu.dma_semaphore, #tpu.memory_space<semaphore_mem>>) attributes {dimension_semantics = [#tpu.dimension_semantics<core_parallel>, #tpu.dimension_semantics<subcore_parallel>], iteration_bounds = array<i64: 2, 16>, scalar_prefetch = 0 : i64, scratch_operands = 5 : i64, tpu.core_type = #tpu.core_type<sc_vector_subcore>, window_params = [{transform_indices = #map}, {transform_indices = #map1}, {transform_indices = #map2}, {transform_indices = #map}, {transform_indices = #map2}]} {
    %mul3A = arith.constant 2 : i32
    %mul3A_0 = arith.muli %arg1, %mul3A : i32
    %add3A = arith.addi %mul3A_0, %arg0 : i32
    %mul3A_1 = arith.constant 640 : i32
    %mul3A_2 = arith.muli %arg1, %mul3A_1 : i32
    %mul3A_3 = arith.constant 640 : i32
    %mul3A_4 = arith.muli %arg1, %mul3A_3 : i32
    "tpu.region"() ({
      %run_scoped3A = tpu.sem_alloc : memref<!tpu.dma_semaphore, #tpu.memory_space<semaphore_mem>>
      %dma_start3A = arith.constant 0 : i32
      %dma_start3A_15 = tpu.memref_slice %arg7[%mul3A_4, %dma_start3A] : memref<10240x128xf32, #tpu.memory_space<vmem_shared>> -> memref<640x128xf32, #tpu.memory_space<vmem_shared>>
      %dma_start3A_16 = arith.constant 0 : i32
      %dma_start3A_17 = tpu.memref_slice %arg5[%mul3A_2, %dma_start3A_16] : memref<10240x128xf32, #tpu.memory_space<hbm>> -> memref<640x128xf32, #tpu.memory_space<hbm>>
      tpu.enqueue_dma source(%dma_start3A_17 : memref<640x128xf32, #tpu.memory_space<hbm>>) target(%dma_start3A_15 : memref<640x128xf32, #tpu.memory_space<vmem_shared>>) target_semaphore(%run_scoped3A : memref<!tpu.dma_semaphore, #tpu.memory_space<semaphore_mem>>)
      %dma_wait3A = arith.constant 0 : i32
      %dma_wait3A_18 = tpu.memref_slice %arg7[%mul3A_4, %dma_wait3A] : memref<10240x128xf32, #tpu.memory_space<vmem_shared>> -> memref<640x128xf32, #tpu.memory_space<vmem_shared>>
      %dma_wait3A_19 = arith.constant 0 : i32
      %dma_wait3A_20 = tpu.memref_slice %arg5[%mul3A_2, %dma_wait3A_19] : memref<10240x128xf32, #tpu.memory_space<hbm>> -> memref<640x128xf32, #tpu.memory_space<hbm>>
      tpu.wait_dma2 semaphore(%run_scoped3A : memref<!tpu.dma_semaphore, #tpu.memory_space<semaphore_mem>>) src(%dma_wait3A_20 : memref<640x128xf32, #tpu.memory_space<hbm>>) dst(%dma_wait3A_18 : memref<640x128xf32, #tpu.memory_space<vmem_shared>>)
      tpu.yield
    }) : () -> ()
    "tpu.region"() ({
      %run_scoped3A = tpu.sem_alloc : memref<!tpu.dma_semaphore, #tpu.memory_space<semaphore_mem>>
      %dma_start3A = arith.constant 0 : i32
      %dma_start3A_15 = arith.constant 0 : i32
      %dma_start3A_16 = tpu.memref_slice %arg3[%arg0, %add3A, %dma_start3A, %dma_start3A_15] : memref<2x32x79x128xi32, #tpu.memory_space<hbm>> -> memref<1x1x79x128xi32, #tpu.memory_space<hbm>>
      %dma_start3A_17 = tpu.memref_squeeze %dma_start3A_16 : memref<1x1x79x128xi32, #tpu.memory_space<hbm>> -> memref<79x128xi32, #tpu.memory_space<hbm>>
      %dma_start3A_18 = arith.constant 0 : i32
      %dma_start3A_19 = arith.constant 0 : i32
      %dma_start3A_20 = tpu.memref_slice %arg3[%arg0, %add3A, %dma_start3A_18, %dma_start3A_19] : memref<2x32x79x128xi32, #tpu.memory_space<hbm>> -> memref<1x1x79x128xi32, #tpu.memory_space<hbm>>
      %dma_start3A_21 = tpu.memref_squeeze %dma_start3A_20 : memref<1x1x79x128xi32, #tpu.memory_space<hbm>> -> memref<79x128xi32, #tpu.memory_space<hbm>>
      tpu.enqueue_dma source(%dma_start3A_21 : memref<79x128xi32, #tpu.memory_space<hbm>>) target(%arg8 : memref<79x128xi32, #tpu.memory_space<vmem>>) target_semaphore(%run_scoped3A : memref<!tpu.dma_semaphore, #tpu.memory_space<semaphore_mem>>)
      %dma_wait3A = arith.constant 0 : i32
      %dma_wait3A_22 = arith.constant 0 : i32
      %dma_wait3A_23 = tpu.memref_slice %arg3[%arg0, %add3A, %dma_wait3A, %dma_wait3A_22] : memref<2x32x79x128xi32, #tpu.memory_space<hbm>> -> memref<1x1x79x128xi32, #tpu.memory_space<hbm>>
      %dma_wait3A_24 = tpu.memref_squeeze %dma_wait3A_23 : memref<1x1x79x128xi32, #tpu.memory_space<hbm>> -> memref<79x128xi32, #tpu.memory_space<hbm>>
      %dma_wait3A_25 = arith.constant 0 : i32
      %dma_wait3A_26 = arith.constant 0 : i32
      %dma_wait3A_27 = tpu.memref_slice %arg3[%arg0, %add3A, %dma_wait3A_25, %dma_wait3A_26] : memref<2x32x79x128xi32, #tpu.memory_space<hbm>> -> memref<1x1x79x128xi32, #tpu.memory_space<hbm>>
      %dma_wait3A_28 = tpu.memref_squeeze %dma_wait3A_27 : memref<1x1x79x128xi32, #tpu.memory_space<hbm>> -> memref<79x128xi32, #tpu.memory_space<hbm>>
      tpu.wait_dma2 semaphore(%run_scoped3A : memref<!tpu.dma_semaphore, #tpu.memory_space<semaphore_mem>>) src(%dma_wait3A_28 : memref<79x128xi32, #tpu.memory_space<hbm>>) dst(%arg8 : memref<79x128xi32, #tpu.memory_space<vmem>>)
      tpu.yield
    }) : () -> ()
    "tpu.region"() ({
      %run_scoped3A = tpu.sem_alloc : memref<!tpu.dma_semaphore, #tpu.memory_space<semaphore_mem>>
      %dma_start3A = arith.constant 0 : i32
      %dma_start3A_15 = arith.constant 0 : i32
      %dma_start3A_16 = tpu.memref_slice %arg4[%add3A, %dma_start3A, %dma_start3A_15] : memref<32x79x128xi32, #tpu.memory_space<hbm>> -> memref<1x79x128xi32, #tpu.memory_space<hbm>>
      %dma_start3A_17 = tpu.memref_squeeze %dma_start3A_16 : memref<1x79x128xi32, #tpu.memory_space<hbm>> -> memref<79x128xi32, #tpu.memory_space<hbm>>
      %dma_start3A_18 = arith.constant 0 : i32
      %dma_start3A_19 = arith.constant 0 : i32
      %dma_start3A_20 = tpu.memref_slice %arg4[%add3A, %dma_start3A_18, %dma_start3A_19] : memref<32x79x128xi32, #tpu.memory_space<hbm>> -> memref<1x79x128xi32, #tpu.memory_space<hbm>>
      %dma_start3A_21 = tpu.memref_squeeze %dma_start3A_20 : memref<1x79x128xi32, #tpu.memory_space<hbm>> -> memref<79x128xi32, #tpu.memory_space<hbm>>
      tpu.enqueue_dma source(%dma_start3A_21 : memref<79x128xi32, #tpu.memory_space<hbm>>) target(%arg9 : memref<79x128xi32, #tpu.memory_space<vmem>>) target_semaphore(%run_scoped3A : memref<!tpu.dma_semaphore, #tpu.memory_space<semaphore_mem>>)
      %dma_wait3A = arith.constant 0 : i32
      %dma_wait3A_22 = arith.constant 0 : i32
      %dma_wait3A_23 = tpu.memref_slice %arg4[%add3A, %dma_wait3A, %dma_wait3A_22] : memref<32x79x128xi32, #tpu.memory_space<hbm>> -> memref<1x79x128xi32, #tpu.memory_space<hbm>>
      %dma_wait3A_24 = tpu.memref_squeeze %dma_wait3A_23 : memref<1x79x128xi32, #tpu.memory_space<hbm>> -> memref<79x128xi32, #tpu.memory_space<hbm>>
      %dma_wait3A_25 = arith.constant 0 : i32
      %dma_wait3A_26 = arith.constant 0 : i32
      %dma_wait3A_27 = tpu.memref_slice %arg4[%add3A, %dma_wait3A_25, %dma_wait3A_26] : memref<32x79x128xi32, #tpu.memory_space<hbm>> -> memref<1x79x128xi32, #tpu.memory_space<hbm>>
      %dma_wait3A_28 = tpu.memref_squeeze %dma_wait3A_27 : memref<1x79x128xi32, #tpu.memory_space<hbm>> -> memref<79x128xi32, #tpu.memory_space<hbm>>
      tpu.wait_dma2 semaphore(%run_scoped3A : memref<!tpu.dma_semaphore, #tpu.memory_space<semaphore_mem>>) src(%dma_wait3A_28 : memref<79x128xi32, #tpu.memory_space<hbm>>) dst(%arg9 : memref<79x128xi32, #tpu.memory_space<vmem>>)
      tpu.yield
    }) : () -> ()
    %barrier3A = arith.constant 0 : index
    tpu.barrier barrier_id(%barrier3A)
    %scan3A = arith.constant 0 : i32
    %scan3A_5 = arith.constant 0 : i32
    %scan3A_6 = arith.constant 79 : i32
    %scan3A_7 = arith.addi %scan3A_5, %scan3A_6 : i32
    %scan3A_8 = arith.constant 1 : i32
    scf.for %scan3A_15 = %scan3A_5 to %scan3A_7 step %scan3A_8  : i32 {
      %dma_start3A = arith.constant 0 : i32
      %dma_start3A_16 = tpu.memref_slice %arg8[%scan3A_15, %dma_start3A] : memref<79x128xi32, #tpu.memory_space<vmem>> -> memref<1x128xi32, #tpu.memory_space<vmem>>
      %dma_start3A_17 = tpu.memref_squeeze %dma_start3A_16 : memref<1x128xi32, #tpu.memory_space<vmem>> -> memref<128xi32, #tpu.memory_space<vmem>>
      %dma_start3A_18 = arith.constant 0 : i32
      %dma_start3A_19 = arith.constant 0 : i32
      %dma_start3A_20 = tpu.memref_slice %arg2[%dma_start3A_18, %dma_start3A_19] : memref<20000x128xf32, #tpu.memory_space<hbm>> -> memref<20000x128xf32, #tpu.memory_space<hbm>>
      tpu.enqueue_indirect_dma source(%dma_start3A_20 : memref<20000x128xf32, #tpu.memory_space<hbm>>) target(%arg10 : memref<128x128xf32, #tpu.memory_space<vmem>>) offsets(%dma_start3A_17 : memref<128xi32, #tpu.memory_space<vmem>>) semaphore(%arg11 : memref<!tpu.dma_semaphore, #tpu.memory_space<semaphore_mem>>)
      %dma_wait3A = arith.constant 0 : i32
      %dma_wait3A_21 = tpu.memref_slice %arg8[%scan3A_15, %dma_wait3A] : memref<79x128xi32, #tpu.memory_space<vmem>> -> memref<1x128xi32, #tpu.memory_space<vmem>>
      %dma_wait3A_22 = tpu.memref_squeeze %dma_wait3A_21 : memref<1x128xi32, #tpu.memory_space<vmem>> -> memref<128xi32, #tpu.memory_space<vmem>>
      %dma_wait3A_23 = arith.constant 0 : i32
      %dma_wait3A_24 = arith.constant 0 : i32
      %dma_wait3A_25 = tpu.memref_slice %arg2[%dma_wait3A_23, %dma_wait3A_24] : memref<20000x128xf32, #tpu.memory_space<hbm>> -> memref<20000x128xf32, #tpu.memory_space<hbm>>
      tpu.wait_indirect_dma semaphore(%arg11 : memref<!tpu.dma_semaphore, #tpu.memory_space<semaphore_mem>>) src(%dma_wait3A_25 : memref<20000x128xf32, #tpu.memory_space<hbm>>) dst(%arg10 : memref<128x128xf32, #tpu.memory_space<vmem>>)
      "tpu.region"() ({
        %run_scoped3A = tpu.sem_alloc : memref<!tpu.dma_semaphore, #tpu.memory_space<semaphore_mem>>
        %dma_start3A_26 = arith.constant 0 : i32
        %dma_start3A_27 = tpu.memref_slice %arg9[%scan3A_15, %dma_start3A_26] : memref<79x128xi32, #tpu.memory_space<vmem>> -> memref<1x128xi32, #tpu.memory_space<vmem>>
        %dma_start3A_28 = tpu.memref_squeeze %dma_start3A_27 : memref<1x128xi32, #tpu.memory_space<vmem>> -> memref<128xi32, #tpu.memory_space<vmem>>
        %dma_start3A_29 = arith.constant 0 : i32
        %dma_start3A_30 = arith.constant 0 : i32
        %dma_start3A_31 = tpu.memref_slice %arg7[%dma_start3A_29, %dma_start3A_30] : memref<10240x128xf32, #tpu.memory_space<vmem_shared>> -> memref<10240x128xf32, #tpu.memory_space<vmem_shared>>
        tpu.enqueue_indirect_dma source(%arg10 : memref<128x128xf32, #tpu.memory_space<vmem>>) target(%dma_start3A_31 : memref<10240x128xf32, #tpu.memory_space<vmem_shared>>) offsets(%dma_start3A_28 : memref<128xi32, #tpu.memory_space<vmem>>) semaphore(%run_scoped3A : memref<!tpu.dma_semaphore, #tpu.memory_space<semaphore_mem>>) {add = true}
        %dma_wait3A_32 = arith.constant 0 : i32
        %dma_wait3A_33 = tpu.memref_slice %arg9[%scan3A_15, %dma_wait3A_32] : memref<79x128xi32, #tpu.memory_space<vmem>> -> memref<1x128xi32, #tpu.memory_space<vmem>>
        %dma_wait3A_34 = tpu.memref_squeeze %dma_wait3A_33 : memref<1x128xi32, #tpu.memory_space<vmem>> -> memref<128xi32, #tpu.memory_space<vmem>>
        %dma_wait3A_35 = arith.constant 0 : i32
        %dma_wait3A_36 = arith.constant 0 : i32
        %dma_wait3A_37 = tpu.memref_slice %arg7[%dma_wait3A_35, %dma_wait3A_36] : memref<10240x128xf32, #tpu.memory_space<vmem_shared>> -> memref<10240x128xf32, #tpu.memory_space<vmem_shared>>
        tpu.wait_indirect_dma semaphore(%run_scoped3A : memref<!tpu.dma_semaphore, #tpu.memory_space<semaphore_mem>>) src(%arg10 : memref<128x128xf32, #tpu.memory_space<vmem>>) dst(%dma_wait3A_37 : memref<10240x128xf32, #tpu.memory_space<vmem_shared>>)
        tpu.yield
      }) : () -> ()
    }
    %scan3A_9 = arith.constant 79 : i32
    %barrier3A_10 = arith.constant 0 : index
    tpu.barrier barrier_id(%barrier3A_10)
    %mul3A_11 = arith.constant 640 : i32
    %mul3A_12 = arith.muli %arg1, %mul3A_11 : i32
    %mul3A_13 = arith.constant 640 : i32
    %mul3A_14 = arith.muli %arg1, %mul3A_13 : i32
    "tpu.region"() ({
      %run_scoped3A = tpu.sem_alloc : memref<!tpu.dma_semaphore, #tpu.memory_space<semaphore_mem>>
      %dma_start3A = arith.constant 0 : i32
      %dma_start3A_15 = tpu.memref_slice %arg6[%arg0, %mul3A_14, %dma_start3A] : memref<2x10240x128xf32, #tpu.memory_space<hbm>> -> memref<1x640x128xf32, #tpu.memory_space<hbm>>
      %dma_start3A_16 = tpu.memref_squeeze %dma_start3A_15 : memref<1x640x128xf32, #tpu.memory_space<hbm>> -> memref<640x128xf32, #tpu.memory_space<hbm>>
      %dma_start3A_17 = arith.constant 0 : i32
      %dma_start3A_18 = tpu.memref_slice %arg7[%mul3A_12, %dma_start3A_17] : memref<10240x128xf32, #tpu.memory_space<vmem_shared>> -> memref<640x128xf32, #tpu.memory_space<vmem_shared>>
      tpu.enqueue_dma source(%dma_start3A_18 : memref<640x128xf32, #tpu.memory_space<vmem_shared>>) target(%dma_start3A_16 : memref<640x128xf32, #tpu.memory_space<hbm>>) target_semaphore(%run_scoped3A : memref<!tpu.dma_semaphore, #tpu.memory_space<semaphore_mem>>)
      %dma_wait3A = arith.constant 0 : i32
      %dma_wait3A_19 = tpu.memref_slice %arg6[%arg0, %mul3A_14, %dma_wait3A] : memref<2x10240x128xf32, #tpu.memory_space<hbm>> -> memref<1x640x128xf32, #tpu.memory_space<hbm>>
      %dma_wait3A_20 = tpu.memref_squeeze %dma_wait3A_19 : memref<1x640x128xf32, #tpu.memory_space<hbm>> -> memref<640x128xf32, #tpu.memory_space<hbm>>
      %dma_wait3A_21 = arith.constant 0 : i32
      %dma_wait3A_22 = tpu.memref_slice %arg7[%mul3A_12, %dma_wait3A_21] : memref<10240x128xf32, #tpu.memory_space<vmem_shared>> -> memref<640x128xf32, #tpu.memory_space<vmem_shared>>
      tpu.wait_dma2 semaphore(%run_scoped3A : memref<!tpu.dma_semaphore, #tpu.memory_space<semaphore_mem>>) src(%dma_wait3A_22 : memref<640x128xf32, #tpu.memory_space<vmem_shared>>) dst(%dma_wait3A_20 : memref<640x128xf32, #tpu.memory_space<hbm>>)
      tpu.yield
    }) : () -> ()
    return
  }
}

module attributes {stable_mosaic.version = 14 : i64} {
  func.func @_mlp2_body(%arg0: i32, %arg1: i32, %arg2: memref<1000x128xf32, #tpu.memory_space<vmem>>, %arg3: memref<128x128xf32, #tpu.memory_space<vmem>>, %arg4: memref<1x128xf32, #tpu.memory_space<vmem>>, %arg5: memref<128x128xf32, #tpu.memory_space<vmem>>, %arg6: memref<1x128xf32, #tpu.memory_space<vmem>>, %arg7: memref<1x1000x128xf32, #tpu.memory_space<vmem>>) attributes {dimension_semantics = [#tpu.dimension_semantics<arbitrary>, #tpu.dimension_semantics<arbitrary>], iteration_bounds = array<i64: 2, 10>, scalar_prefetch = 0 : i64, scratch_operands = 0 : i64, tpu.core_type = #tpu.core_type<tc>, window_params = [{transform_indices = @transform_0, window_bounds = array<i64: 1000, 128>}, {pipeline_mode = #tpu.pipeline_mode<synchronous>, transform_indices = @transform_1, window_bounds = array<i64: 128, 128>}, {pipeline_mode = #tpu.pipeline_mode<synchronous>, transform_indices = @transform_2, window_bounds = array<i64: 1, 128>}, {pipeline_mode = #tpu.pipeline_mode<synchronous>, transform_indices = @transform_3, window_bounds = array<i64: 128, 128>}, {pipeline_mode = #tpu.pipeline_mode<synchronous>, transform_indices = @transform_4, window_bounds = array<i64: 1, 128>}, {transform_indices = @transform_5, window_bounds = array<i64: 1, 1000, 128>}]} {
    %get3A = arith.constant 0 : index
    %get3A_0 = arith.constant 0 : index
    %get3A_1 = vector.load %arg2[%get3A, %get3A_0] : memref<1000x128xf32, #tpu.memory_space<vmem>>, vector<1000x128xf32>
    %get3A_2 = arith.constant 0 : index
    %get3A_3 = arith.constant 0 : index
    %get3A_4 = vector.load %arg3[%get3A_2, %get3A_3] : memref<128x128xf32, #tpu.memory_space<vmem>>, vector<128x128xf32>
    %dot_general3A = arith.constant dense<0.000000e+00> : vector<1000x128xf32>
    %dot_general3A_5 = tpu.matmul %get3A_1, %get3A_4, %dot_general3A {dimension_numbers = #tpu.dot_dimension_numbers<[1], [0], [0], [1], [0, 0, 1, 1], [], []>, transpose_lhs_hint = false} : vector<1000x128xf32>, vector<128x128xf32>, vector<1000x128xf32> -> vector<1000x128xf32>
    %get3A_6 = arith.constant 0 : index
    %get3A_7 = arith.constant 0 : index
    %get3A_8 = vector.load %arg4[%get3A_6, %get3A_7] : memref<1x128xf32, #tpu.memory_space<vmem>>, vector<1x128xf32>
    %add3A = vector.broadcast %get3A_8 : vector<1x128xf32> to vector<1000x128xf32>
    %add3A_9 = arith.addf %dot_general3A_5, %add3A : vector<1000x128xf32>
    %max3A = arith.constant 0.000000e+00 : f32
    %max3A_10 = vector.broadcast %max3A : f32 to vector<1000x128xf32>
    %max3A_11 = arith.maximumf %add3A_9, %max3A_10 : vector<1000x128xf32>
    %get3A_12 = arith.constant 0 : index
    %get3A_13 = arith.constant 0 : index
    %get3A_14 = vector.load %arg5[%get3A_12, %get3A_13] : memref<128x128xf32, #tpu.memory_space<vmem>>, vector<128x128xf32>
    %dot_general3A_15 = arith.constant dense<0.000000e+00> : vector<1000x128xf32>
    %dot_general3A_16 = tpu.matmul %max3A_11, %get3A_14, %dot_general3A_15 {dimension_numbers = #tpu.dot_dimension_numbers<[1], [0], [0], [1], [0, 0, 1, 1], [], []>, transpose_lhs_hint = false} : vector<1000x128xf32>, vector<128x128xf32>, vector<1000x128xf32> -> vector<1000x128xf32>
    %get3A_17 = arith.constant 0 : index
    %get3A_18 = arith.constant 0 : index
    %get3A_19 = vector.load %arg6[%get3A_17, %get3A_18] : memref<1x128xf32, #tpu.memory_space<vmem>>, vector<1x128xf32>
    %add3A_20 = vector.broadcast %get3A_19 : vector<1x128xf32> to vector<1000x128xf32>
    %add3A_21 = arith.addf %dot_general3A_16, %add3A_20 : vector<1000x128xf32>
    %swap3A = arith.constant 0 : index
    %swap3A_22 = arith.constant 0 : index
    %swap3A_23 = arith.constant 0 : index
    %swap3A_24 = vector.load %arg7[%swap3A, %swap3A_22, %swap3A_23] : memref<1x1000x128xf32, #tpu.memory_space<vmem>>, vector<1x1000x128xf32>
    %swap3A_25 = vector.shape_cast %swap3A_24 : vector<1x1000x128xf32> to vector<1000x128xf32>
    %swap3A_26 = vector.shape_cast %add3A_21 : vector<1000x128xf32> to vector<1x1000x128xf32>
    tpu.vector_store %arg7[%swap3A, %swap3A_22, %swap3A_23], %swap3A_26 {strides = array<i32>} : memref<1x1000x128xf32, #tpu.memory_space<vmem>>, vector<1x1000x128xf32>,
    return
  }
  func.func @transform_0(%arg0: i32, %arg1: i32) -> (i32, i32) {
    %c0_i32 = arith.constant 0 : i32
    %c0_i32_0 = arith.constant 0 : i32
    return %arg1, %c0_i32 : i32, i32
  }
  func.func @transform_1(%arg0: i32, %arg1: i32) -> (i32, i32) {
    %c0_i32 = arith.constant 0 : i32
    %c0_i32_0 = arith.constant 0 : i32
    %c0_i32_1 = arith.constant 0 : i32
    return %c0_i32, %c0_i32_0 : i32, i32
  }
  func.func @transform_2(%arg0: i32, %arg1: i32) -> (i32, i32) {
    %c0_i32 = arith.constant 0 : i32
    %c0_i32_0 = arith.constant 0 : i32
    %c0_i32_1 = arith.constant 0 : i32
    return %c0_i32, %c0_i32_0 : i32, i32
  }
  func.func @transform_3(%arg0: i32, %arg1: i32) -> (i32, i32) {
    %c0_i32 = arith.constant 0 : i32
    %c0_i32_0 = arith.constant 0 : i32
    %c0_i32_1 = arith.constant 0 : i32
    return %c0_i32, %c0_i32_0 : i32, i32
  }
  func.func @transform_4(%arg0: i32, %arg1: i32) -> (i32, i32) {
    %c0_i32 = arith.constant 0 : i32
    %c0_i32_0 = arith.constant 0 : i32
    %c0_i32_1 = arith.constant 0 : i32
    return %c0_i32, %c0_i32_0 : i32, i32
  }
  func.func @transform_5(%arg0: i32, %arg1: i32) -> (i32, i32, i32) {
    %c0_i32 = arith.constant 0 : i32
    %c0_i32_0 = arith.constant 0 : i32
    return %arg0, %arg1, %c0_i32 : i32, i32, i32
  }
}

module attributes {stable_mosaic.version = 14 : i64} {
  func.func @_upd_body(%arg0: i32, %arg1: memref<1000x128xf32, #tpu.memory_space<vmem>>, %arg2: memref<2x1000x128xf32, #tpu.memory_space<vmem>>, %arg3: memref<128x128xf32, #tpu.memory_space<vmem>>, %arg4: memref<128x128xf32, #tpu.memory_space<vmem>>, %arg5: memref<1x128xf32, #tpu.memory_space<vmem>>, %arg6: memref<128x128xf32, #tpu.memory_space<vmem>>, %arg7: memref<1x128xf32, #tpu.memory_space<vmem>>, %arg8: memref<1000x128xf32, #tpu.memory_space<vmem>>) attributes {dimension_semantics = [#tpu.dimension_semantics<arbitrary>], iteration_bounds = array<i64: 10>, scalar_prefetch = 0 : i64, scratch_operands = 0 : i64, tpu.core_type = #tpu.core_type<tc>, window_params = [{transform_indices = @transform_0, window_bounds = array<i64: 1000, 128>}, {transform_indices = @transform_1, window_bounds = array<i64: 2, 1000, 128>}, {pipeline_mode = #tpu.pipeline_mode<synchronous>, transform_indices = @transform_2, window_bounds = array<i64: 128, 128>}, {pipeline_mode = #tpu.pipeline_mode<synchronous>, transform_indices = @transform_3, window_bounds = array<i64: 128, 128>}, {pipeline_mode = #tpu.pipeline_mode<synchronous>, transform_indices = @transform_4, window_bounds = array<i64: 1, 128>}, {pipeline_mode = #tpu.pipeline_mode<synchronous>, transform_indices = @transform_5, window_bounds = array<i64: 128, 128>}, {pipeline_mode = #tpu.pipeline_mode<synchronous>, transform_indices = @transform_6, window_bounds = array<i64: 1, 128>}, {transform_indices = @transform_7, window_bounds = array<i64: 1000, 128>}]} {
    %get3A = arith.constant 0 : index
    %get3A_0 = arith.constant 0 : index
    %get3A_1 = arith.constant 0 : index
    %get3A_2 = vector.load %arg2[%get3A, %get3A_0, %get3A_1] : memref<2x1000x128xf32, #tpu.memory_space<vmem>>, vector<1x1000x128xf32>
    %get3A_3 = vector.shape_cast %get3A_2 : vector<1x1000x128xf32> to vector<1000x128xf32>
    %get3A_4 = arith.constant 1 : index
    %get3A_5 = arith.constant 0 : index
    %get3A_6 = arith.constant 0 : index
    %get3A_7 = vector.load %arg2[%get3A_4, %get3A_5, %get3A_6] : memref<2x1000x128xf32, #tpu.memory_space<vmem>>, vector<1x1000x128xf32>
    %get3A_8 = vector.shape_cast %get3A_7 : vector<1x1000x128xf32> to vector<1000x128xf32>
    %add3A = arith.addf %get3A_3, %get3A_8 : vector<1000x128xf32>
    %get3A_9 = arith.constant 0 : index
    %get3A_10 = arith.constant 0 : index
    %get3A_11 = vector.load %arg1[%get3A_9, %get3A_10] : memref<1000x128xf32, #tpu.memory_space<vmem>>, vector<1000x128xf32>
    %get3A_12 = arith.constant 0 : index
    %get3A_13 = arith.constant 0 : index
    %get3A_14 = vector.load %arg3[%get3A_12, %get3A_13] : memref<128x128xf32, #tpu.memory_space<vmem>>, vector<128x128xf32>
    %dot_general3A = arith.constant dense<0.000000e+00> : vector<1000x128xf32>
    %dot_general3A_15 = tpu.matmul %get3A_11, %get3A_14, %dot_general3A {dimension_numbers = #tpu.dot_dimension_numbers<[1], [0], [0], [1], [0, 0, 1, 1], [], []>, transpose_lhs_hint = false} : vector<1000x128xf32>, vector<128x128xf32>, vector<1000x128xf32> -> vector<1000x128xf32>
    %get3A_16 = arith.constant 0 : index
    %get3A_17 = arith.constant 0 : index
    %get3A_18 = vector.load %arg4[%get3A_16, %get3A_17] : memref<128x128xf32, #tpu.memory_space<vmem>>, vector<128x128xf32>
    %dot_general3A_19 = arith.constant dense<0.000000e+00> : vector<1000x128xf32>
    %dot_general3A_20 = tpu.matmul %add3A, %get3A_18, %dot_general3A_19 {dimension_numbers = #tpu.dot_dimension_numbers<[1], [0], [0], [1], [0, 0, 1, 1], [], []>, transpose_lhs_hint = false} : vector<1000x128xf32>, vector<128x128xf32>, vector<1000x128xf32> -> vector<1000x128xf32>
    %add3A_21 = arith.addf %dot_general3A_15, %dot_general3A_20 : vector<1000x128xf32>
    %get3A_22 = arith.constant 0 : index
    %get3A_23 = arith.constant 0 : index
    %get3A_24 = vector.load %arg5[%get3A_22, %get3A_23] : memref<1x128xf32, #tpu.memory_space<vmem>>, vector<1x128xf32>
    %add3A_25 = vector.broadcast %get3A_24 : vector<1x128xf32> to vector<1000x128xf32>
    %add3A_26 = arith.addf %add3A_21, %add3A_25 : vector<1000x128xf32>
    %max3A = arith.constant 0.000000e+00 : f32
    %max3A_27 = vector.broadcast %max3A : f32 to vector<1000x128xf32>
    %max3A_28 = arith.maximumf %add3A_26, %max3A_27 : vector<1000x128xf32>
    %get3A_29 = arith.constant 0 : index
    %get3A_30 = arith.constant 0 : index
    %get3A_31 = vector.load %arg6[%get3A_29, %get3A_30] : memref<128x128xf32, #tpu.memory_space<vmem>>, vector<128x128xf32>
    %dot_general3A_32 = arith.constant dense<0.000000e+00> : vector<1000x128xf32>
    %dot_general3A_33 = tpu.matmul %max3A_28, %get3A_31, %dot_general3A_32 {dimension_numbers = #tpu.dot_dimension_numbers<[1], [0], [0], [1], [0, 0, 1, 1], [], []>, transpose_lhs_hint = false} : vector<1000x128xf32>, vector<128x128xf32>, vector<1000x128xf32> -> vector<1000x128xf32>
    %get3A_34 = arith.constant 0 : index
    %get3A_35 = arith.constant 0 : index
    %get3A_36 = vector.load %arg7[%get3A_34, %get3A_35] : memref<1x128xf32, #tpu.memory_space<vmem>>, vector<1x128xf32>
    %add3A_37 = vector.broadcast %get3A_36 : vector<1x128xf32> to vector<1000x128xf32>
    %add3A_38 = arith.addf %dot_general3A_33, %add3A_37 : vector<1000x128xf32>
    %swap3A = arith.constant 0 : index
    %swap3A_39 = arith.constant 0 : index
    %swap3A_40 = vector.load %arg8[%swap3A, %swap3A_39] : memref<1000x128xf32, #tpu.memory_space<vmem>>, vector<1000x128xf32>
    tpu.vector_store %arg8[%swap3A, %swap3A_39], %add3A_38 {strides = array<i32>} : memref<1000x128xf32, #tpu.memory_space<vmem>>, vector<1000x128xf32>,
    return
  }
  func.func @transform_0(%arg0: i32) -> (i32, i32) {
    %c0_i32 = arith.constant 0 : i32
    %c0_i32_0 = arith.constant 0 : i32
    return %arg0, %c0_i32 : i32, i32
  }
  func.func @transform_1(%arg0: i32) -> (i32, i32, i32) {
    %c0_i32 = arith.constant 0 : i32
    %c0_i32_0 = arith.constant 0 : i32
    %c0_i32_1 = arith.constant 0 : i32
    return %c0_i32, %arg0, %c0_i32_0 : i32, i32, i32
  }
  func.func @transform_2(%arg0: i32) -> (i32, i32) {
    %c0_i32 = arith.constant 0 : i32
    %c0_i32_0 = arith.constant 0 : i32
    %c0_i32_1 = arith.constant 0 : i32
    return %c0_i32, %c0_i32_0 : i32, i32
  }
  func.func @transform_3(%arg0: i32) -> (i32, i32) {
    %c0_i32 = arith.constant 0 : i32
    %c0_i32_0 = arith.constant 0 : i32
    %c0_i32_1 = arith.constant 0 : i32
    return %c0_i32, %c0_i32_0 : i32, i32
  }
  func.func @transform_4(%arg0: i32) -> (i32, i32) {
    %c0_i32 = arith.constant 0 : i32
    %c0_i32_0 = arith.constant 0 : i32
    %c0_i32_1 = arith.constant 0 : i32
    return %c0_i32, %c0_i32_0 : i32, i32
  }
  func.func @transform_5(%arg0: i32) -> (i32, i32) {
    %c0_i32 = arith.constant 0 : i32
    %c0_i32_0 = arith.constant 0 : i32
    %c0_i32_1 = arith.constant 0 : i32
    return %c0_i32, %c0_i32_0 : i32, i32
  }
  func.func @transform_6(%arg0: i32) -> (i32, i32) {
    %c0_i32 = arith.constant 0 : i32
    %c0_i32_0 = arith.constant 0 : i32
    %c0_i32_1 = arith.constant 0 : i32
    return %c0_i32, %c0_i32_0 : i32, i32
  }
  func.func @transform_7(%arg0: i32) -> (i32, i32) {
    %c0_i32 = arith.constant 0 : i32
    %c0_i32_0 = arith.constant 0 : i32
    return %arg0, %c0_i32 : i32, i32
  }
}

module attributes {stable_mosaic.version = 14 : i64} {
  func.func @_upd_body(%arg0: i32, %arg1: memref<1000x128xf32, #tpu.memory_space<vmem>>, %arg2: memref<2x1000x128xf32, #tpu.memory_space<vmem>>, %arg3: memref<128x128xf32, #tpu.memory_space<vmem>>, %arg4: memref<128x128xf32, #tpu.memory_space<vmem>>, %arg5: memref<1x128xf32, #tpu.memory_space<vmem>>, %arg6: memref<128x128xf32, #tpu.memory_space<vmem>>, %arg7: memref<1x128xf32, #tpu.memory_space<vmem>>, %arg8: memref<1000x128xf32, #tpu.memory_space<vmem>>) attributes {dimension_semantics = [#tpu.dimension_semantics<arbitrary>], iteration_bounds = array<i64: 10>, scalar_prefetch = 0 : i64, scratch_operands = 0 : i64, tpu.core_type = #tpu.core_type<tc>, window_params = [{transform_indices = @transform_0, window_bounds = array<i64: 1000, 128>}, {transform_indices = @transform_1, window_bounds = array<i64: 2, 1000, 128>}, {pipeline_mode = #tpu.pipeline_mode<synchronous>, transform_indices = @transform_2, window_bounds = array<i64: 128, 128>}, {pipeline_mode = #tpu.pipeline_mode<synchronous>, transform_indices = @transform_3, window_bounds = array<i64: 128, 128>}, {pipeline_mode = #tpu.pipeline_mode<synchronous>, transform_indices = @transform_4, window_bounds = array<i64: 1, 128>}, {pipeline_mode = #tpu.pipeline_mode<synchronous>, transform_indices = @transform_5, window_bounds = array<i64: 128, 128>}, {pipeline_mode = #tpu.pipeline_mode<synchronous>, transform_indices = @transform_6, window_bounds = array<i64: 1, 128>}, {transform_indices = @transform_7, window_bounds = array<i64: 1000, 128>}]} {
    %get3A = arith.constant 0 : index
    %get3A_0 = arith.constant 0 : index
    %get3A_1 = arith.constant 0 : index
    %get3A_2 = vector.load %arg2[%get3A, %get3A_0, %get3A_1] : memref<2x1000x128xf32, #tpu.memory_space<vmem>>, vector<1x1000x128xf32>
    %get3A_3 = vector.shape_cast %get3A_2 : vector<1x1000x128xf32> to vector<1000x128xf32>
    %get3A_4 = arith.constant 1 : index
    %get3A_5 = arith.constant 0 : index
    %get3A_6 = arith.constant 0 : index
    %get3A_7 = vector.load %arg2[%get3A_4, %get3A_5, %get3A_6] : memref<2x1000x128xf32, #tpu.memory_space<vmem>>, vector<1x1000x128xf32>
    %get3A_8 = vector.shape_cast %get3A_7 : vector<1x1000x128xf32> to vector<1000x128xf32>
    %add3A = arith.addf %get3A_3, %get3A_8 : vector<1000x128xf32>
    %get3A_9 = arith.constant 0 : index
    %get3A_10 = arith.constant 0 : index
    %get3A_11 = vector.load %arg1[%get3A_9, %get3A_10] : memref<1000x128xf32, #tpu.memory_space<vmem>>, vector<1000x128xf32>
    %get3A_12 = arith.constant 0 : index
    %get3A_13 = arith.constant 0 : index
    %get3A_14 = vector.load %arg3[%get3A_12, %get3A_13] : memref<128x128xf32, #tpu.memory_space<vmem>>, vector<128x128xf32>
    %dot_general3A = arith.constant dense<0.000000e+00> : vector<1000x128xf32>
    %dot_general3A_15 = tpu.matmul %get3A_11, %get3A_14, %dot_general3A {dimension_numbers = #tpu.dot_dimension_numbers<[1], [0], [0], [1], [0, 0, 1, 1], [], []>, transpose_lhs_hint = false} : vector<1000x128xf32>, vector<128x128xf32>, vector<1000x128xf32> -> vector<1000x128xf32>
    %get3A_16 = arith.constant 0 : index
    %get3A_17 = arith.constant 0 : index
    %get3A_18 = vector.load %arg4[%get3A_16, %get3A_17] : memref<128x128xf32, #tpu.memory_space<vmem>>, vector<128x128xf32>
    %dot_general3A_19 = arith.constant dense<0.000000e+00> : vector<1000x128xf32>
    %dot_general3A_20 = tpu.matmul %add3A, %get3A_18, %dot_general3A_19 {dimension_numbers = #tpu.dot_dimension_numbers<[1], [0], [0], [1], [0, 0, 1, 1], [], []>, transpose_lhs_hint = false} : vector<1000x128xf32>, vector<128x128xf32>, vector<1000x128xf32> -> vector<1000x128xf32>
    %add3A_21 = arith.addf %dot_general3A_15, %dot_general3A_20 : vector<1000x128xf32>
    %get3A_22 = arith.constant 0 : index
    %get3A_23 = arith.constant 0 : index
    %get3A_24 = vector.load %arg5[%get3A_22, %get3A_23] : memref<1x128xf32, #tpu.memory_space<vmem>>, vector<1x128xf32>
    %add3A_25 = vector.broadcast %get3A_24 : vector<1x128xf32> to vector<1000x128xf32>
    %add3A_26 = arith.addf %add3A_21, %add3A_25 : vector<1000x128xf32>
    %max3A = arith.constant 0.000000e+00 : f32
    %max3A_27 = vector.broadcast %max3A : f32 to vector<1000x128xf32>
    %max3A_28 = arith.maximumf %add3A_26, %max3A_27 : vector<1000x128xf32>
    %get3A_29 = arith.constant 0 : index
    %get3A_30 = arith.constant 0 : index
    %get3A_31 = vector.load %arg6[%get3A_29, %get3A_30] : memref<128x128xf32, #tpu.memory_space<vmem>>, vector<128x128xf32>
    %dot_general3A_32 = arith.constant dense<0.000000e+00> : vector<1000x128xf32>
    %dot_general3A_33 = tpu.matmul %max3A_28, %get3A_31, %dot_general3A_32 {dimension_numbers = #tpu.dot_dimension_numbers<[1], [0], [0], [1], [0, 0, 1, 1], [], []>, transpose_lhs_hint = false} : vector<1000x128xf32>, vector<128x128xf32>, vector<1000x128xf32> -> vector<1000x128xf32>
    %get3A_34 = arith.constant 0 : index
    %get3A_35 = arith.constant 0 : index
    %get3A_36 = vector.load %arg7[%get3A_34, %get3A_35] : memref<1x128xf32, #tpu.memory_space<vmem>>, vector<1x128xf32>
    %add3A_37 = vector.broadcast %get3A_36 : vector<1x128xf32> to vector<1000x128xf32>
    %add3A_38 = arith.addf %dot_general3A_33, %add3A_37 : vector<1000x128xf32>
    %swap3A = arith.constant 0 : index
    %swap3A_39 = arith.constant 0 : index
    %swap3A_40 = vector.load %arg8[%swap3A, %swap3A_39] : memref<1000x128xf32, #tpu.memory_space<vmem>>, vector<1000x128xf32>
    tpu.vector_store %arg8[%swap3A, %swap3A_39], %add3A_38 {strides = array<i32>} : memref<1000x128xf32, #tpu.memory_space<vmem>>, vector<1000x128xf32>,
    return
  }
  func.func @transform_0(%arg0: i32) -> (i32, i32) {
    %c0_i32 = arith.constant 0 : i32
    %c0_i32_0 = arith.constant 0 : i32
    return %arg0, %c0_i32 : i32, i32
  }
  func.func @transform_1(%arg0: i32) -> (i32, i32, i32) {
    %c0_i32 = arith.constant 0 : i32
    %c0_i32_0 = arith.constant 0 : i32
    %c0_i32_1 = arith.constant 0 : i32
    return %c0_i32, %arg0, %c0_i32_0 : i32, i32, i32
  }
  func.func @transform_2(%arg0: i32) -> (i32, i32) {
    %c0_i32 = arith.constant 0 : i32
    %c0_i32_0 = arith.constant 0 : i32
    %c0_i32_1 = arith.constant 0 : i32
    return %c0_i32, %c0_i32_0 : i32, i32
  }
  func.func @transform_3(%arg0: i32) -> (i32, i32) {
    %c0_i32 = arith.constant 0 : i32
    %c0_i32_0 = arith.constant 0 : i32
    %c0_i32_1 = arith.constant 0 : i32
    return %c0_i32, %c0_i32_0 : i32, i32
  }
  func.func @transform_4(%arg0: i32) -> (i32, i32) {
    %c0_i32 = arith.constant 0 : i32
    %c0_i32_0 = arith.constant 0 : i32
    %c0_i32_1 = arith.constant 0 : i32
    return %c0_i32, %c0_i32_0 : i32, i32
  }
  func.func @transform_5(%arg0: i32) -> (i32, i32) {
    %c0_i32 = arith.constant 0 : i32
    %c0_i32_0 = arith.constant 0 : i32
    %c0_i32_1 = arith.constant 0 : i32
    return %c0_i32, %c0_i32_0 : i32, i32
  }
  func.func @transform_6(%arg0: i32) -> (i32, i32) {
    %c0_i32 = arith.constant 0 : i32
    %c0_i32_0 = arith.constant 0 : i32
    %c0_i32_1 = arith.constant 0 : i32
    return %c0_i32, %c0_i32_0 : i32, i32
  }
  func.func @transform_7(%arg0: i32) -> (i32, i32) {
    %c0_i32 = arith.constant 0 : i32
    %c0_i32_0 = arith.constant 0 : i32
    return %arg0, %c0_i32 : i32, i32
  }
}

</mosaic_0001>

<sc_bundles>
// kernel: kernel.11.cloned.1.call-start
scs
__scs_entry_jumppad:
0x0: {  	(pc) =	sbr.rel $0x88, $3  }
0x1: {  	(tag) =	ssettag $0x0;
	lr =	simm.s32 $0x1  }
0x2: {  	[smem:$0x3F87] =	sst lr;
	_ =	strace $0xD0000000  }
0x3: {  	_ = 	snop  }
0x4: {  	_ = 	snop  }
0x5: {  	_ = 	snop  }
0x6: {  	_ = 	snop  }
0x7: {  	_ = 	snop  }
__scs_overlays_trampoline_lowered:
0x8: {  	[smem:$0x3F96] =	sst s0  }
0x9: {  	[smem:$0x3F97] =	sst s1  }
0xa: {  	[smem:$0x3F98] =	sst s2  }
0xb: {  	[smem:$0x3F99] =	sst s3  }
0xc: {  	[smem:$0x3F9A] =	sst s4  }
0xd: {  	[smem:$0x3F9B] =	sst s5  }
0xe: {  	[smem:$0x3F9C] =	sst s6  }
0xf: {  	[smem:$0x3F9D] =	sst s7  }
0x10: {  	[smem:$0x3F9E] =	sst s8  }
0x11: {  	[smem:$0x3F9F] =	sst s9;
	s0 =	simm.s32 @!p0 $0x0  }
0x12: {  	s1 =	sld [smem:$0x3F85];
	s0 =	simm.s32 @p0 $0x1  }
0x13: {  	[smem:$0x3FA0] =	sst s0;
	s0 =	simm.s32 @!p1 $0x0  }
0x14: {  	s2 =	sld [smem:$0x3F84];
	s0 =	simm.s32 @p1 $0x1  }
0x15: {  	[smem:$0x3FA1] =	sst s0;
	s0 =	simm.s32 @!p2 $0x0  }
0x16: {  	s3 =	sld [smem:$0x3FDB];
	s0 =	simm.s32 @p2 $0x1  }
0x17: {  	s4 =	simm.s32 $0x1BF5;
	[smem:$0x3FA3] =	sst s0  }
0x18: {  	s0 =	sld [smem:$0x3F86];
	_ =	swait.ge [sflag:s4], $0x0  }
0x19: {  	s7 =	sld [smem:$0x3F87]  }
0x1a: {  	s8 =	sadd.s32 $0xFFFFE003, lr  }
0x1b: {  	s9 =	sadd.s32 $0xFFFFFEF7, lr;
	s5 =	simm.s32 $0xFFFFFFFF;
	p2 =	slt.u32 s8, $0xFFFFF086  }
0x1c: {  	p1 =	slt.u32 s9, $0xF7A;
	s5 =	simm.s32 @!p2 $0x0  }
0x1d: {  	s5 =	simm.s32 @p1 $0x1;
	p0 =	seq.s32 s7, s2  }
0x1e: {  	s7 =	smul.u32 @!p0 $0xF7A, s2;
	p2 =	seq.s32 @!p0 s5, $0x0  }
0x1f: {  	s9 =	smul.u32 $0xF7A, s1;
	s8 =	simm.s32 @!p0 $0x1BF5;
	p2 =	por !p2, p0  }
0x20: {  	[sflag:s8] =	ssyncset.s32 @!p0 $0xFFFFF086;
	s6 =	sadd.s32 @!p0 s3, s7;
	s7 =	simm.s32 @!p0 $0x108  }
0x21: {  	s3 =	sadd.s32 s3, s9;
	s6 =	sadd.s32 @!p0 $0x88, s6;
	s7 =	simm.s32 @p2 $0x1082  }
0x22: {  	[simem:s7], [sflag:s8] =	dma.local @!p0 [hbm:s6], $0xF7A  }
0x23: {  	s9 =	sor.u32 $0xD0000000, s2;
	s6 =	simm.s32 $0x108;
	_ =	swait.ge @!p0 [sflag:s8], $0x0  }
0x24: {  	s3 =	sadd.s32 $0x88, s3;
	s6 =	simm.s32 @!p1 $0x1082;
	[sflag:s4] =	ssyncset.s32 $0xFFFFF086  }
0x25: {  	[simem:s6], [sflag:s4] =	dma.local [hbm:s3], $0xF7A  }
0x26: {  	[smem:$0x3F87] =	sst s1;
	(tag) =	ssettag s2;
	_ =	strace s9  }
0x27: {  	s1 =	sld [smem:$0x3F97]  }
0x28: {  	s2 =	sld [smem:$0x3F98]  }
0x29: {  	s4 =	sld [smem:$0x3F9A]  }
0x2a: {  	p0 =	seq.s32 s5, $0x0;
	s5 =	sld [smem:$0x3F9B]  }
0x2b: {  	s6 =	sld [smem:$0x3F9C]  }
0x2c: {  	s7 =	sld [smem:$0x3F9D]  }
0x2d: {  	s3 =	simm.s32 $0x108;
	s8 =	sld [smem:$0x3F9E]  }
0x2e: {  	s3 =	simm.s32 @!p0 $0x1082;
	s9 =	sld [smem:$0x3F9F]  }
0x2f: {  	lr =	sadd.s32 s0, s3;
	s0 =	sld [smem:$0x3F96]  }
0x30: {  	s3 =	sld [smem:$0x3F99]  }
0x31: {  	[smem:$0x3FA2] =	sst s10  }
0x32: {  	s10 =	sld [smem:$0x3FA0];
	_ =	sdelay $0x3  }
0x33: {  	p0 =	seq.s32 s10, $0x1;
	s10 =	sld [smem:$0x3FA2];
	_ =	sdelay $0x3  }
0x34: {  	[smem:$0x3FA2] =	sst s10  }
0x35: {  	s10 =	sld [smem:$0x3FA1];
	_ =	sdelay $0x3  }
0x36: {  	p1 =	seq.s32 s10, $0x1;
	s10 =	sld [smem:$0x3FA2];
	_ =	sdelay $0x3  }
0x37: {  	[smem:$0x3FA2] =	sst s10  }
0x38: {  	s10 =	sld [smem:$0x3FA3]  }
0x39: {  	_ = 	snop;
	(pc) =	sbr.ind lr, $3  }
0x3a: {  	_ = 	snop  }
0x3b: {  	_ = 	snop  }
0x3c: {  	p2 =	seq.s32 s10, $0x1;
	s10 =	sld [smem:$0x3FA2]  }
0x3d: {  	_ =	shalt  }
0x3e: {  	_ =	shalt  }
0x3f: {  	_ =	shalt  }
0x40: {  	_ =	shalt  }
0x41: {  	_ =	shalt  }
0x42: {  	_ =	shalt  }
0x43: {  	_ =	shalt  }
0x44: {  	_ =	shalt  }
0x45: {  	_ =	shalt  }
0x46: {  	_ =	shalt  }
0x47: {  	_ =	shalt  }
0x48: {  	_ =	shalt  }
0x49: {  	_ =	shalt  }
0x4a: {  	_ =	shalt  }
0x4b: {  	_ =	shalt  }
0x4c: {  	_ =	shalt  }
0x4d: {  	_ =	shalt  }
0x4e: {  	_ =	shalt  }
0x4f: {  	_ =	shalt  }
0x50: {  	_ =	shalt  }
0x51: {  	_ =	shalt  }
0x52: {  	_ =	shalt  }
0x53: {  	_ =	shalt  }
0x54: {  	_ =	shalt  }
0x55: {  	_ =	shalt  }
0x56: {  	_ =	shalt  }
0x57: {  	_ =	shalt  }
0x58: {  	_ =	shalt  }
0x59: {  	_ =	shalt  }
0x5a: {  	_ =	shalt  }
0x5b: {  	_ =	shalt  }
0x5c: {  	_ =	shalt  }
0x5d: {  	_ =	shalt  }
0x5e: {  	_ =	shalt  }
0x5f: {  	_ =	shalt  }
0x60: {  	_ =	shalt  }
0x61: {  	_ =	shalt  }
0x62: {  	_ =	shalt  }
0x63: {  	_ =	shalt  }
0x64: {  	_ =	shalt  }
0x65: {  	_ =	shalt  }
0x66: {  	_ =	shalt  }
0x67: {  	_ =	shalt  }
0x68: {  	_ =	shalt  }
0x69: {  	_ =	shalt  }
0x6a: {  	_ =	shalt  }
0x6b: {  	_ =	shalt  }
0x6c: {  	_ =	shalt  }
0x6d: {  	_ =	shalt  }
0x6e: {  	_ =	shalt  }
0x6f: {  	_ =	shalt  }
0x70: {  	_ =	shalt  }
0x71: {  	_ =	shalt  }
0x72: {  	_ =	shalt  }
0x73: {  	_ =	shalt  }
0x74: {  	_ =	shalt  }
0x75: {  	_ =	shalt  }
0x76: {  	_ =	shalt  }
0x77: {  	_ =	shalt  }
0x78: {  	_ =	shalt  }
0x79: {  	_ =	shalt  }
0x7a: {  	_ =	shalt  }
0x7b: {  	_ =	shalt  }
0x7c: {  	_ =	shalt  }
0x7d: {  	_ =	shalt  }
0x7e: {  	_ =	shalt  }
0x7f: {  	_ =	shalt  }
0x80: {  	_ =	shalt  }
0x81: {  	_ =	shalt  }
0x82: {  	_ =	shalt  }
0x83: {  	_ =	shalt  }
0x84: {  	_ =	shalt  }
0x85: {  	_ =	shalt  }
0x86: {  	_ =	shalt  }
0x87: {  	_ =	shalt  }
.Lfunc_end0:
.L_simem_size_0:
called_computation_lowered:
.L_overlay_start_0:
0x88: {  	s2 =	sld [smem:$0x3FD9]  }
0x89: {  	s3 =	sld [smem:$0x3FFE];
	_ =	sdelay $0x1  }
0x8a: {  	s1 =	srdreg.scid  }
0x8b: {  	s0 =	sand.u32 $0x1, s1  }
0x8c: {  	s17 =	sshll.u32 s0, $0xA;
	s2 =	sadd.s32 s3, s2  }
0x8d: {  	s2 =	sadd.s32 s2, s17  }
0x8e: {  	[smem:$0x3FAE] =	sst s2  }
0x8f: {  	_ = 	snop  }
0x90: {  	s2 =	sld [smem:$0x3FD0];
	(tm) =	ssettm $0x1  }
0x91: {  	s18 =	sld [smem:$0x3FFB];
	_ =	sdelay $0x3  }
0x92: {  	_ =	strace s18  }
0x93: {  	s3 =	sld [smem:$0x3FFC];
	_ =	sdelay $0x3  }
0x94: {  	_ =	strace s3  }
0x95: {  	s3 =	sld [smem:$0x3FFD];
	_ =	sdelay $0x3  }
0x96: {  	_ =	strace s3  }
0x97: {  	_ =	strace $0x8FFFFFFF  }
0x98: {  	s19 =	sld [smem:$0x3FDB];
	_ =	sdelay $0x1  }
0x99: {  	s4 =	simm.s32 $_scs_section_size  }
0x9a: {  	s5 =	simm.s32 $_size__tile_overlayer_lowered;
	s6 =	simm.s32 $_tile_overlayer_lowered  }
0x9b: {  	s22 =	simm.s32 $0x1BFF;
	s21 =	sshll.u32 s6, $0x1;
	s3 =	sadd.s32 s4, s19  }
0x9c: {  	s7 =	simm.s32 $0x0;
	s20 =	sshll.u32 s5, $0x1;
	s5 =	sadd.s32 s21, s3  }
0x9d: {  	[timem:s7], [sflag:s22] =	dma.local [hbm:s5], s20  }
0x9e: {  	_ =	swait.ge [sflag:s22], s20  }
0x9f: {  	s4 =	ssub.s32 $0x0, s20;
	[sflag:s22] =	ssyncset.done $0x0  }
0xa0: {  	[sflag:s22] =	ssyncadd.s32 s4;
	_ =	sdelay $0x1  }
0xa1: {  	s23 =	simm.s32 $0x1B8B  }
0xa2: {  	_ =	swait.ge [sflag:s23], $0x1  }
0xa3: {  	[sflag:s23] =	ssyncset.done $0x0  }
0xa4: {  	s25 =	simm.s32 $0x1B8E;
	s24 =	sld [smem:$0x3FFE];
	[sflag:s23] =	ssyncadd.s32 $0xFFFFFFFF  }
0xa5: {  	s26 =	simm.s32 $execute0_lowered;
	[smem:$0x3FD2] =	sst s25  }
0xa6: {  	s5 =	sshll.u32 s26, $0x1;
	_ =	strace $0x80000046;
	[dreg:$0x1] =	wrdreg $0xFFFFFFFF  }
0xa7: {  	s28 =	simm.s32 $_size_execute0_lowered;
	s3 =	sadd.s32 s3, s5;
	[dreg:$0x0] =	wrdreg $0x0  }
0xa8: {  	s5 =	sshll.u32 s28, $0x1;
	[dreg:$0x2] =	wrdreg s3  }
0xa9: {  	[dreg:$0x3] =	wrdreg s5  }
0xaa: {  	[dreg:$0x4] =	wrdreg $0xC0  }
0xab: {  	_ =	task [dreg:s7], $0x5FFFF  }
0xac: {  	[dreg:$0x1] =	wrdreg $0xFFFFFFFF  }
0xad: {  	[dreg:$0x0] =	wrdreg $0x60  }
0xae: {  	[dreg:$0x2] =	wrdreg s24  }
0xaf: {  	[dreg:$0x3] =	wrdreg s2  }
0xb0: {  	[dreg:$0x4] =	wrdreg $0x0  }
0xb1: {  	[dreg:$0x5] =	wrdreg $0x9  }
0xb2: {  	_ =	task.clear_ibuf [dreg:s7], $0x6FFFF;
	_ =	strace $0x90000046  }
0xb3: {  	s29 =	simm.s32 $0x9;
	_ =	strace $0x80000048  }
0xb4: {  	_ =	swait.ge [sflag:s29], $0x1  }
0xb5: {  	[sflag:s29] =	ssyncadd.s32 $0xFFFFFFFF  }
0xb6: {  	_ =	strace $0x90000048  }
0xb7: {  	_ =	sfence  }
0xb8: {  	s30 =	sld [smem:$0x0];
	_ =	sdelay $0x2  }
0xb9: {  	s31 =	sshll.u32 s1, $0xD;
	s1 =	sshrl.u32 s1, $0x2  }
0xba: {  	s3 =	sand.u32 $0x4000, s31;
	s1 =	sadd.s32 s1, s30  }
0xbb: {  	s0 =	sor.u32 s3, s0;
	s1 =	sshll.u32 s1, $0x11  }
0xbc: {  	s0 =	sor.u32 s1, s0  }
0xbd: {  	s0 =	sadd.s32 $0x8F2B, s0  }
0xbe: {  	[sflag:s0] =	ssyncadd.remote.s32 $0x1  }
0xbf: {  	_ =	sfence.sel $0xFFFF  }
0xc0: {  	[dreg:$0x0] =	wrdreg $0xFFFFFFFF;
	(pc) =	sbr.abs _section_cstart, $3  }
0xc1: {  	[dreg:$0x1] =	wrdreg $0xFFFFFFFF  }
0xc2: {  	_ =	task.clear_ibuf [dreg:s7], $0x2FFFF;
	_ =	strace $0x9FFFFFFF  }
0xc3: {  	(tm) =	ssettm $0x7FFFFFFF  }
tec
execute0_lowered:
.L_overlay_start_1:
0x0: {  	(tag) =	ssettag $0x1  }
0x1: {  	s5 =	rddreg [dreg:$0x0]  }
0x2: {  	s1 =	srdreg.scid;
	s7 =	rddreg [dreg:$0x1]  }
0x3: {  	s0 =	stileid.u32;
	s2 =	rddreg [dreg:$0x2]  }
0x4: {  	s3 =	simm.s32 $0x0;
	s15 =	simm.s32 $0x80;
	s16 =	simm.s32 $0x19000  }
0x5: {  	s17 =	simm.s32 $0x1;
	s18 =	simm.s32 $0x0;
	s9 =	smul.u32 $0x14000, s0  }
0x6: {  	s6 =	sand.u32 $0x1, s1;
	s1 =	rddreg [dreg:$0x3];
	s13 =	smul.u32 $0x50000, s0  }
0x7: {  	s28 =	sshll.u32 s0, $0x1;
	[smem:$0x7FF] =	sst s3;
	s12 =	smul.u32 $0x140000, s6  }
0x8: {  	s4 =	sor.u32 s6, s28;
	s29 =	ssub.s32 $0x2, s6;
	s6 =	smul.u32 $0x50000, s6  }
0x9: {  	s31 =	sshll.u32 s0, $0x6;
	_ =	strace $0x80000047;
	s8 =	smul.u32 $0x2800, s4  }
0xa: {  	s11 =	sshrl.u32 s9, $0x3;
	s4 =	sadd.s32 $0xEE00, s5;
	s14 =	sshrl.u32 s29, $0x1  }
0xb: {  	s30 =	sshrl.u32 s13, $0x2;
	s11 =	sadd.s32 s11, s5;
	s9 =	sadd.s32 s9, s12  }
0xc: {  	s12 =	ssub.s32 s29, s14;
	s13 =	sadd.s32 s30, s2;
	s14 =	simm.s32 $0x16800  }
0xd: {  	s10 =	sshrl.u32 s8, $0x3;
	s9 =	sshrl.u32 s9, $0x3;
	s8 =	sadd.s32 s6, s8  }
0xe: {  	s6 =	sor.u32 $0x1C02, s31;
	s10 =	sadd.s32 s10, s5;
	s9 =	sadd.s32 s9, s5  }
0xf: {  	s5 =	sadd.s32 $0x5D000, s11;
	s8 =	sshrl.u32 s8, $0x3;
	s11 =	sshrl.u32 s13, $0x3  }
0x10: {  	s13 =	simm.s32 $0x14000;
	s7 =	sadd.s32 s7, s8;
	s8 =	sadd.s32 $0x4E00, s10  }
0x11: {  	s9 =	sadd.s32 $0x85000, s9;
	s10 =	smax.u32 s12, $0x1;
	s12 =	simm.s32 $0x2  }
.LBB2_1:
0x12: {  	[spmem:s11], [sflag:s6] =	dma.local [hbm:s5], $0x2800  }
0x13: {  	_ =	swait.ge [sflag:s12], $0x2800  }
0x14: {  	[sflag:s12] =	ssyncset.done $0x0  }
0x15: {  	[sflag:s12] =	ssyncadd.s32 $0xFFFFD800  }
0x16: {  	[tilespmem:s13], [sflag:$0x2] =	stream.linear.gather [hbm4b:s7+s3], $0x2780, $0x38;
	[tilespmem:$0x1D000] =	vst v63  }
0x17: {  	_ =	swait.ge [sflag:s12], $0x2780  }
0x18: {  	[sflag:s12] =	ssyncset.done $0x0  }
0x19: {  	[sflag:s12] =	ssyncadd.s32 $0xFFFFD880  }
0x1a: {  	[tilespmem:s14], [sflag:$0x2] =	stream.linear.gather [hbm4b:s8+s3], $0x2780, $0x38;
	[tilespmem:$0x1D000] =	vst v63  }
0x1b: {  	_ =	swait.ge [sflag:s12], $0x2780  }
0x1c: {  	[sflag:s12] =	ssyncset.done $0x0  }
0x1d: {  	[sflag:s12] =	ssyncadd.s32 $0xFFFFD880  }
0x1e: {  	s19 =	simm.s32 $0x14000;
	[bflag:$0x0] =	sbarrier.arrive $0xFFFF  }
0x1f: {  	[tilespmem:s16], [sflag:$0x1] =	stream.indirect.gather [hbm4b:s4+s15], $0x80, s19, s15, $0xb8;
	[tilespmem:$0x1D000] =	vst v63  }
0x20: {  	_ =	swait.ge [sflag:s17], $0x4000  }
0x21: {  	[sflag:s17] =	ssyncset.done $0x0  }
0x22: {  	s31 =	simm.s32 $0x16800;
	[sflag:s17] =	ssyncadd.s32 $0xFFFFC000  }
0x23: {  	[spmem:s2] =	stream.indirect.scatter.add.f32 [tilespmem:s16], [sflag:$0x2], $0x80, s31, s15, $0xb8;
	[tilespmem:$0x1D000] =	vst v63  }
0x24: {  	_ =	swait.ge [sflag:s12], $0x4000  }
0x25: {  	s20 =	simm.s32 $0x400;
	s19 =	simm.s32 $0x80;
	[sflag:s12] =	ssyncset.done $0x0  }
.LBB2_2:
0x26: {  	s21 =	sadd.s32 $0x14000, s19  }
0x27: {  	[sflag:s12] =	ssyncadd.s32 $0xFFFFC000;
	s22 =	smov.u32 s20;
	s23 =	sadd.s32 $0x200, s20  }
0x28: {  	[tilespmem:s16], [sflag:$0x1] =	stream.indirect.gather [hbm4b:s4+s15], $0x80, s21, s15, $0xb8;
	[tilespmem:$0x1D000] =	vst v63  }
0x29: {  	p0 =	sne.s32 s20, $0x9C00;
	_ =	swait.ge [sflag:s17], $0x4000  }
.Ltmp0:
0x2a: {  	[sflag:s17] =	ssyncset.done $0x0;
	(pc) =	sbr.rel @p0 .LBB2_2-.Ltmp0, $4  }
0x2b: {  	s19 =	sadd.s32 $0x16800, s19;
	[sflag:s17] =	ssyncadd.s32 $0xFFFFC000  }
0x2c: {  	[spmem:s2] =	stream.indirect.scatter.add.f32 [tilespmem:s16], [sflag:$0x2], $0x80, s19, s15, $0xb8;
	[tilespmem:$0x1D000] =	vst v63  }
0x2d: {  	_ =	swait.ge [sflag:s12], $0x4000  }
0x2e: {  	s20 =	smov.u32 s23;
	s19 =	sshra.s32 s22, $0x2;
	[sflag:s12] =	ssyncset.done $0x0  }
0x2f: {  	s20 =	sadd.s32 $0x14000, s19;
	[sflag:s12] =	ssyncadd.s32 $0xFFFFC000  }
0x30: {  	[tilespmem:s16], [sflag:$0x1] =	stream.indirect.gather [hbm4b:s4+s15], $0x80, s20, s15, $0xb8;
	[tilespmem:$0x1D000] =	vst v63  }
0x31: {  	_ =	swait.ge [sflag:s17], $0x4000  }
0x32: {  	[sflag:s17] =	ssyncset.done $0x0  }
0x33: {  	s31 =	sadd.s32 $0x16800, s19;
	[sflag:s17] =	ssyncadd.s32 $0xFFFFC000  }
0x34: {  	[spmem:s2] =	stream.indirect.scatter.add.f32 [tilespmem:s16], [sflag:$0x2], $0x80, s31, s15, $0xb8;
	[tilespmem:$0x1D000] =	vst v63  }
0x35: {  	_ =	swait.ge [sflag:s12], $0x4000  }
0x36: {  	s18 =	sadd.s32 $0x1, s18;
	[sflag:s12] =	ssyncset.done $0x0  }
0x37: {  	p0 =	sne.s32 s18, s10;
	[sflag:s12] =	ssyncadd.s32 $0xFFFFC000  }
.Ltmp1:
0x38: {  	[bflag:$0x0] =	sbarrier.arrive $0xFFFF;
	(pc) =	sbr.rel @p0 .LBB2_1-.Ltmp1, $4  }
0x39: {  	[hbm:s9], [sflag:s6] =	dma.local [spmem:s11], $0x2800  }
0x3a: {  	_ =	swait.ge [sflag:s12], $0x2800  }
0x3b: {  	[sflag:s12] =	ssyncset.done $0x0  }
0x3c: {  	[sflag:s12] =	ssyncadd.s32 $0xFFFFD800  }
0x3d: {  	_ =	sfence.sel $0x180000  }
0x3e: {  	[bflag:$0x0] =	sbarrier.arrive $0xFFFF  }
0x3f: {  	p0 =	sne.s32 s0, $0x0;
	_ =	strace $0x90000047  }
0x40: {  	s0 =	sadd.s32 @!p0 $0x100000, s1;
	[bflag:$0x2] =	sbarrier.arrive $0xFFFF  }
0x41: {  	[sflag:s0] =	ssyncadd.tile.s32 @!p0 $0x1;
	_ =	shalt  }
.Lfunc_end2:
_tile_overlayer_lowered:
.L_overlay_start_2:
0x42: {  	(tag) =	ssettag $0x2  }
0x43: {  	s0 =	rddreg [dreg:$0x0];
	s2 =	stileid.u32  }
0x44: {  	s1 =	rddreg [dreg:$0x1];
	p0 =	sne.s32 s2, $0x0  }
0x45: {  	s3 =	rddreg [dreg:$0x2];
	[bflag:$0x3] =	sbarrier.arrive $0xFFFF;
	s2 =	simm.s32 @!p0 $0x1C02  }
0x46: {  	[timem:s3], [sflag:s2] =	dma.local @!p0 [hbm:s0], s1  }
0x47: {  	s0 =	simm.s32 @!p0 $0x2  }
0x48: {  	_ =	swait.ge @!p0 [sflag:s0], s1  }
0x49: {  	s1 =	ssub.s32 @!p0 $0x0, s1;
	[sflag:s0] =	ssyncset.done @!p0 $0x0  }
0x4a: {  	[sflag:s0] =	ssyncadd.s32 @!p0 s1  }
0x4b: {  	[bflag:$0x3] =	sbarrier.arrive $0xFFFF  }
0x4c: {  	_ =	shalt  }

// kernel: kernel.14.cloned.1.call-start
scs
__scs_entry_jumppad:
0x0: {  	(pc) =	sbr.rel $0x88, $3  }
0x1: {  	(tag) =	ssettag $0x0;
	lr =	simm.s32 $0x1  }
0x2: {  	[smem:$0x3F87] =	sst lr;
	_ =	strace $0xD0000000  }
0x3: {  	_ = 	snop  }
0x4: {  	_ = 	snop  }
0x5: {  	_ = 	snop  }
0x6: {  	_ = 	snop  }
0x7: {  	_ = 	snop  }
__scs_overlays_trampoline_lowered:
0x8: {  	[smem:$0x3F96] =	sst s0  }
0x9: {  	[smem:$0x3F97] =	sst s1  }
0xa: {  	[smem:$0x3F98] =	sst s2  }
0xb: {  	[smem:$0x3F99] =	sst s3  }
0xc: {  	[smem:$0x3F9A] =	sst s4  }
0xd: {  	[smem:$0x3F9B] =	sst s5  }
0xe: {  	[smem:$0x3F9C] =	sst s6  }
0xf: {  	[smem:$0x3F9D] =	sst s7  }
0x10: {  	[smem:$0x3F9E] =	sst s8  }
0x11: {  	[smem:$0x3F9F] =	sst s9;
	s0 =	simm.s32 @!p0 $0x0  }
0x12: {  	s1 =	sld [smem:$0x3F85];
	s0 =	simm.s32 @p0 $0x1  }
0x13: {  	[smem:$0x3FA0] =	sst s0;
	s0 =	simm.s32 @!p1 $0x0  }
0x14: {  	s2 =	sld [smem:$0x3F84];
	s0 =	simm.s32 @p1 $0x1  }
0x15: {  	[smem:$0x3FA1] =	sst s0;
	s0 =	simm.s32 @!p2 $0x0  }
0x16: {  	s3 =	sld [smem:$0x3FDB];
	s0 =	simm.s32 @p2 $0x1  }
0x17: {  	s4 =	simm.s32 $0x1BF5;
	[smem:$0x3FA3] =	sst s0  }
0x18: {  	s0 =	sld [smem:$0x3F86];
	_ =	swait.ge [sflag:s4], $0x0  }
0x19: {  	s7 =	sld [smem:$0x3F87]  }
0x1a: {  	s8 =	sadd.s32 $0xFFFFE003, lr  }
0x1b: {  	s9 =	sadd.s32 $0xFFFFFEF7, lr;
	s5 =	simm.s32 $0xFFFFFFFF;
	p2 =	slt.u32 s8, $0xFFFFF086  }
0x1c: {  	p1 =	slt.u32 s9, $0xF7A;
	s5 =	simm.s32 @!p2 $0x0  }
0x1d: {  	s5 =	simm.s32 @p1 $0x1;
	p0 =	seq.s32 s7, s2  }
0x1e: {  	s7 =	smul.u32 @!p0 $0xF7A, s2;
	p2 =	seq.s32 @!p0 s5, $0x0  }
0x1f: {  	s9 =	smul.u32 $0xF7A, s1;
	s8 =	simm.s32 @!p0 $0x1BF5;
	p2 =	por !p2, p0  }
0x20: {  	[sflag:s8] =	ssyncset.s32 @!p0 $0xFFFFF086;
	s6 =	sadd.s32 @!p0 s3, s7;
	s7 =	simm.s32 @!p0 $0x108  }
0x21: {  	s3 =	sadd.s32 s3, s9;
	s6 =	sadd.s32 @!p0 $0x88, s6;
	s7 =	simm.s32 @p2 $0x1082  }
0x22: {  	[simem:s7], [sflag:s8] =	dma.local @!p0 [hbm:s6], $0xF7A  }
0x23: {  	s9 =	sor.u32 $0xD0000000, s2;
	s6 =	simm.s32 $0x108;
	_ =	swait.ge @!p0 [sflag:s8], $0x0  }
0x24: {  	s3 =	sadd.s32 $0x88, s3;
	s6 =	simm.s32 @!p1 $0x1082;
	[sflag:s4] =	ssyncset.s32 $0xFFFFF086  }
0x25: {  	[simem:s6], [sflag:s4] =	dma.local [hbm:s3], $0xF7A  }
0x26: {  	[smem:$0x3F87] =	sst s1;
	(tag) =	ssettag s2;
	_ =	strace s9  }
0x27: {  	s1 =	sld [smem:$0x3F97]  }
0x28: {  	s2 =	sld [smem:$0x3F98]  }
0x29: {  	s4 =	sld [smem:$0x3F9A]  }
0x2a: {  	p0 =	seq.s32 s5, $0x0;
	s5 =	sld [smem:$0x3F9B]  }
0x2b: {  	s6 =	sld [smem:$0x3F9C]  }
0x2c: {  	s7 =	sld [smem:$0x3F9D]  }
0x2d: {  	s3 =	simm.s32 $0x108;
	s8 =	sld [smem:$0x3F9E]  }
0x2e: {  	s3 =	simm.s32 @!p0 $0x1082;
	s9 =	sld [smem:$0x3F9F]  }
0x2f: {  	lr =	sadd.s32 s0, s3;
	s0 =	sld [smem:$0x3F96]  }
0x30: {  	s3 =	sld [smem:$0x3F99]  }
0x31: {  	[smem:$0x3FA2] =	sst s10  }
0x32: {  	s10 =	sld [smem:$0x3FA0];
	_ =	sdelay $0x3  }
0x33: {  	p0 =	seq.s32 s10, $0x1;
	s10 =	sld [smem:$0x3FA2];
	_ =	sdelay $0x3  }
0x34: {  	[smem:$0x3FA2] =	sst s10  }
0x35: {  	s10 =	sld [smem:$0x3FA1];
	_ =	sdelay $0x3  }
0x36: {  	p1 =	seq.s32 s10, $0x1;
	s10 =	sld [smem:$0x3FA2];
	_ =	sdelay $0x3  }
0x37: {  	[smem:$0x3FA2] =	sst s10  }
0x38: {  	s10 =	sld [smem:$0x3FA3]  }
0x39: {  	_ = 	snop;
	(pc) =	sbr.ind lr, $3  }
0x3a: {  	_ = 	snop  }
0x3b: {  	_ = 	snop  }
0x3c: {  	p2 =	seq.s32 s10, $0x1;
	s10 =	sld [smem:$0x3FA2]  }
0x3d: {  	_ =	shalt  }
0x3e: {  	_ =	shalt  }
0x3f: {  	_ =	shalt  }
0x40: {  	_ =	shalt  }
0x41: {  	_ =	shalt  }
0x42: {  	_ =	shalt  }
0x43: {  	_ =	shalt  }
0x44: {  	_ =	shalt  }
0x45: {  	_ =	shalt  }
0x46: {  	_ =	shalt  }
0x47: {  	_ =	shalt  }
0x48: {  	_ =	shalt  }
0x49: {  	_ =	shalt  }
0x4a: {  	_ =	shalt  }
0x4b: {  	_ =	shalt  }
0x4c: {  	_ =	shalt  }
0x4d: {  	_ =	shalt  }
0x4e: {  	_ =	shalt  }
0x4f: {  	_ =	shalt  }
0x50: {  	_ =	shalt  }
0x51: {  	_ =	shalt  }
0x52: {  	_ =	shalt  }
0x53: {  	_ =	shalt  }
0x54: {  	_ =	shalt  }
0x55: {  	_ =	shalt  }
0x56: {  	_ =	shalt  }
0x57: {  	_ =	shalt  }
0x58: {  	_ =	shalt  }
0x59: {  	_ =	shalt  }
0x5a: {  	_ =	shalt  }
0x5b: {  	_ =	shalt  }
0x5c: {  	_ =	shalt  }
0x5d: {  	_ =	shalt  }
0x5e: {  	_ =	shalt  }
0x5f: {  	_ =	shalt  }
0x60: {  	_ =	shalt  }
0x61: {  	_ =	shalt  }
0x62: {  	_ =	shalt  }
0x63: {  	_ =	shalt  }
0x64: {  	_ =	shalt  }
0x65: {  	_ =	shalt  }
0x66: {  	_ =	shalt  }
0x67: {  	_ =	shalt  }
0x68: {  	_ =	shalt  }
0x69: {  	_ =	shalt  }
0x6a: {  	_ =	shalt  }
0x6b: {  	_ =	shalt  }
0x6c: {  	_ =	shalt  }
0x6d: {  	_ =	shalt  }
0x6e: {  	_ =	shalt  }
0x6f: {  	_ =	shalt  }
0x70: {  	_ =	shalt  }
0x71: {  	_ =	shalt  }
0x72: {  	_ =	shalt  }
0x73: {  	_ =	shalt  }
0x74: {  	_ =	shalt  }
0x75: {  	_ =	shalt  }
0x76: {  	_ =	shalt  }
0x77: {  	_ =	shalt  }
0x78: {  	_ =	shalt  }
0x79: {  	_ =	shalt  }
0x7a: {  	_ =	shalt  }
0x7b: {  	_ =	shalt  }
0x7c: {  	_ =	shalt  }
0x7d: {  	_ =	shalt  }
0x7e: {  	_ =	shalt  }
0x7f: {  	_ =	shalt  }
0x80: {  	_ =	shalt  }
0x81: {  	_ =	shalt  }
0x82: {  	_ =	shalt  }
0x83: {  	_ =	shalt  }
0x84: {  	_ =	shalt  }
0x85: {  	_ =	shalt  }
0x86: {  	_ =	shalt  }
0x87: {  	_ =	shalt  }
.Lfunc_end0:
.L_simem_size_0:
called_computation.1_lowered:
.L_overlay_start_0:
0x88: {  	s2 =	sld [smem:$0x3FD9]  }
0x89: {  	s3 =	sld [smem:$0x3FFE];
	_ =	sdelay $0x1  }
0x8a: {  	s1 =	srdreg.scid  }
0x8b: {  	s0 =	sand.u32 $0x1, s1  }
0x8c: {  	s17 =	sshll.u32 s0, $0xA;
	s2 =	sadd.s32 s3, s2  }
0x8d: {  	s2 =	sadd.s32 s2, s17  }
0x8e: {  	[smem:$0x3FAE] =	sst s2  }
0x8f: {  	_ = 	snop  }
0x90: {  	s2 =	sld [smem:$0x3FD0];
	(tm) =	ssettm $0x1  }
0x91: {  	s18 =	sld [smem:$0x3FFB];
	_ =	sdelay $0x3  }
0x92: {  	_ =	strace s18  }
0x93: {  	s3 =	sld [smem:$0x3FFC];
	_ =	sdelay $0x3  }
0x94: {  	_ =	strace s3  }
0x95: {  	s3 =	sld [smem:$0x3FFD];
	_ =	sdelay $0x3  }
0x96: {  	_ =	strace s3  }
0x97: {  	_ =	strace $0x8FFFFFFF  }
0x98: {  	s19 =	sld [smem:$0x3FDB];
	_ =	sdelay $0x1  }
0x99: {  	s4 =	simm.s32 $_scs_section_size  }
0x9a: {  	s5 =	simm.s32 $_size__tile_overlayer_lowered;
	s6 =	simm.s32 $_tile_overlayer_lowered  }
0x9b: {  	s22 =	simm.s32 $0x1BFF;
	s21 =	sshll.u32 s6, $0x1;
	s3 =	sadd.s32 s4, s19  }
0x9c: {  	s7 =	simm.s32 $0x0;
	s20 =	sshll.u32 s5, $0x1;
	s5 =	sadd.s32 s21, s3  }
0x9d: {  	[timem:s7], [sflag:s22] =	dma.local [hbm:s5], s20  }
0x9e: {  	_ =	swait.ge [sflag:s22], s20  }
0x9f: {  	s4 =	ssub.s32 $0x0, s20;
	[sflag:s22] =	ssyncset.done $0x0  }
0xa0: {  	[sflag:s22] =	ssyncadd.s32 s4;
	_ =	sdelay $0x1  }
0xa1: {  	s23 =	simm.s32 $0x1B8B  }
0xa2: {  	_ =	swait.ge [sflag:s23], $0x1  }
0xa3: {  	[sflag:s23] =	ssyncset.done $0x0  }
0xa4: {  	s25 =	simm.s32 $0x1B8E;
	s24 =	sld [smem:$0x3FFE];
	[sflag:s23] =	ssyncadd.s32 $0xFFFFFFFF  }
0xa5: {  	s26 =	simm.s32 $execute0_lowered;
	[smem:$0x3FD2] =	sst s25  }
0xa6: {  	s5 =	sshll.u32 s26, $0x1;
	_ =	strace $0x80000049;
	[dreg:$0x1] =	wrdreg $0xFFFFFFFF  }
0xa7: {  	s28 =	simm.s32 $_size_execute0_lowered;
	s3 =	sadd.s32 s3, s5;
	[dreg:$0x0] =	wrdreg $0x0  }
0xa8: {  	s5 =	sshll.u32 s28, $0x1;
	[dreg:$0x2] =	wrdreg s3  }
0xa9: {  	[dreg:$0x3] =	wrdreg s5  }
0xaa: {  	[dreg:$0x4] =	wrdreg $0xC0  }
0xab: {  	_ =	task [dreg:s7], $0x5FFFF  }
0xac: {  	[dreg:$0x1] =	wrdreg $0xFFFFFFFF  }
0xad: {  	[dreg:$0x0] =	wrdreg $0x60  }
0xae: {  	[dreg:$0x2] =	wrdreg s24  }
0xaf: {  	[dreg:$0x3] =	wrdreg s2  }
0xb0: {  	[dreg:$0x4] =	wrdreg $0x0  }
0xb1: {  	[dreg:$0x5] =	wrdreg $0x9  }
0xb2: {  	_ =	task.clear_ibuf [dreg:s7], $0x6FFFF;
	_ =	strace $0x90000049  }
0xb3: {  	s29 =	simm.s32 $0x9;
	_ =	strace $0x8000004B  }
0xb4: {  	_ =	swait.ge [sflag:s29], $0x1  }
0xb5: {  	[sflag:s29] =	ssyncadd.s32 $0xFFFFFFFF  }
0xb6: {  	_ =	strace $0x9000004B  }
0xb7: {  	_ =	sfence  }
0xb8: {  	s30 =	sld [smem:$0x0];
	_ =	sdelay $0x2  }
0xb9: {  	s31 =	sshll.u32 s1, $0xD;
	s1 =	sshrl.u32 s1, $0x2  }
0xba: {  	s3 =	sand.u32 $0x4000, s31;
	s1 =	sadd.s32 s1, s30  }
0xbb: {  	s0 =	sor.u32 s3, s0;
	s1 =	sshll.u32 s1, $0x11  }
0xbc: {  	s0 =	sor.u32 s1, s0  }
0xbd: {  	s0 =	sadd.s32 $0x8F2B, s0  }
0xbe: {  	[sflag:s0] =	ssyncadd.remote.s32 $0x1  }
0xbf: {  	_ =	sfence.sel $0xFFFF  }
0xc0: {  	[dreg:$0x0] =	wrdreg $0xFFFFFFFF;
	(pc) =	sbr.abs _section_cstart, $3  }
0xc1: {  	[dreg:$0x1] =	wrdreg $0xFFFFFFFF  }
0xc2: {  	_ =	task.clear_ibuf [dreg:s7], $0x2FFFF;
	_ =	strace $0x9FFFFFFF  }
0xc3: {  	(tm) =	ssettm $0x7FFFFFFF  }
tec
execute0_lowered:
.L_overlay_start_1:
0x0: {  	(tag) =	ssettag $0x1  }
0x1: {  	s5 =	rddreg [dreg:$0x0]  }
0x2: {  	s1 =	srdreg.scid;
	s7 =	rddreg [dreg:$0x1]  }
0x3: {  	s0 =	stileid.u32;
	s2 =	rddreg [dreg:$0x2]  }
0x4: {  	s3 =	simm.s32 $0x0;
	s15 =	simm.s32 $0x80;
	s16 =	simm.s32 $0x19000  }
0x5: {  	s17 =	simm.s32 $0x1;
	s18 =	simm.s32 $0x0;
	s9 =	smul.u32 $0x14000, s0  }
0x6: {  	s6 =	sand.u32 $0x1, s1;
	s1 =	rddreg [dreg:$0x3];
	s13 =	smul.u32 $0x50000, s0  }
0x7: {  	s28 =	sshll.u32 s0, $0x1;
	[smem:$0x7FF] =	sst s3;
	s12 =	smul.u32 $0x140000, s6  }
0x8: {  	s4 =	sor.u32 s6, s28;
	s29 =	ssub.s32 $0x2, s6;
	s6 =	smul.u32 $0x50000, s6  }
0x9: {  	s31 =	sshll.u32 s0, $0x6;
	_ =	strace $0x8000004A;
	s8 =	smul.u32 $0x2800, s4  }
0xa: {  	s11 =	sshrl.u32 s9, $0x3;
	s4 =	sadd.s32 $0xEE00, s5;
	s14 =	sshrl.u32 s29, $0x1  }
0xb: {  	s30 =	sshrl.u32 s13, $0x2;
	s11 =	sadd.s32 s11, s5;
	s9 =	sadd.s32 s9, s12  }
0xc: {  	s12 =	ssub.s32 s29, s14;
	s13 =	sadd.s32 s30, s2;
	s14 =	simm.s32 $0x16800  }
0xd: {  	s10 =	sshrl.u32 s8, $0x3;
	s9 =	sshrl.u32 s9, $0x3;
	s8 =	sadd.s32 s6, s8  }
0xe: {  	s6 =	sor.u32 $0x1C02, s31;
	s10 =	sadd.s32 s10, s5;
	s9 =	sadd.s32 s9, s5  }
0xf: {  	s5 =	sadd.s32 $0x5D000, s11;
	s8 =	sshrl.u32 s8, $0x3;
	s11 =	sshrl.u32 s13, $0x3  }
0x10: {  	s13 =	simm.s32 $0x14000;
	s7 =	sadd.s32 s7, s8;
	s8 =	sadd.s32 $0x4E00, s10  }
0x11: {  	s9 =	sadd.s32 $0x85000, s9;
	s10 =	smax.u32 s12, $0x1;
	s12 =	simm.s32 $0x2  }
.LBB2_1:
0x12: {  	[spmem:s11], [sflag:s6] =	dma.local [hbm:s5], $0x2800  }
0x13: {  	_ =	swait.ge [sflag:s12], $0x2800  }
0x14: {  	[sflag:s12] =	ssyncset.done $0x0  }
0x15: {  	[sflag:s12] =	ssyncadd.s32 $0xFFFFD800  }
0x16: {  	[tilespmem:s13], [sflag:$0x2] =	stream.linear.gather [hbm4b:s7+s3], $0x2780, $0x38;
	[tilespmem:$0x1D000] =	vst v63  }
0x17: {  	_ =	swait.ge [sflag:s12], $0x2780  }
0x18: {  	[sflag:s12] =	ssyncset.done $0x0  }
0x19: {  	[sflag:s12] =	ssyncadd.s32 $0xFFFFD880  }
0x1a: {  	[tilespmem:s14], [sflag:$0x2] =	stream.linear.gather [hbm4b:s8+s3], $0x2780, $0x38;
	[tilespmem:$0x1D000] =	vst v63  }
0x1b: {  	_ =	swait.ge [sflag:s12], $0x2780  }
0x1c: {  	[sflag:s12] =	ssyncset.done $0x0  }
0x1d: {  	[sflag:s12] =	ssyncadd.s32 $0xFFFFD880  }
0x1e: {  	s19 =	simm.s32 $0x14000;
	[bflag:$0x0] =	sbarrier.arrive $0xFFFF  }
0x1f: {  	[tilespmem:s16], [sflag:$0x1] =	stream.indirect.gather [hbm4b:s4+s15], $0x80, s19, s15, $0xb8;
	[tilespmem:$0x1D000] =	vst v63  }
0x20: {  	_ =	swait.ge [sflag:s17], $0x4000  }
0x21: {  	[sflag:s17] =	ssyncset.done $0x0  }
0x22: {  	s31 =	simm.s32 $0x16800;
	[sflag:s17] =	ssyncadd.s32 $0xFFFFC000  }
0x23: {  	[spmem:s2] =	stream.indirect.scatter.add.f32 [tilespmem:s16], [sflag:$0x2], $0x80, s31, s15, $0xb8;
	[tilespmem:$0x1D000] =	vst v63  }
0x24: {  	_ =	swait.ge [sflag:s12], $0x4000  }
0x25: {  	s20 =	simm.s32 $0x400;
	s19 =	simm.s32 $0x80;
	[sflag:s12] =	ssyncset.done $0x0  }
.LBB2_2:
0x26: {  	s21 =	sadd.s32 $0x14000, s19  }
0x27: {  	[sflag:s12] =	ssyncadd.s32 $0xFFFFC000;
	s22 =	smov.u32 s20;
	s23 =	sadd.s32 $0x200, s20  }
0x28: {  	[tilespmem:s16], [sflag:$0x1] =	stream.indirect.gather [hbm4b:s4+s15], $0x80, s21, s15, $0xb8;
	[tilespmem:$0x1D000] =	vst v63  }
0x29: {  	p0 =	sne.s32 s20, $0x9C00;
	_ =	swait.ge [sflag:s17], $0x4000  }
.Ltmp0:
0x2a: {  	[sflag:s17] =	ssyncset.done $0x0;
	(pc) =	sbr.rel @p0 .LBB2_2-.Ltmp0, $4  }
0x2b: {  	s19 =	sadd.s32 $0x16800, s19;
	[sflag:s17] =	ssyncadd.s32 $0xFFFFC000  }
0x2c: {  	[spmem:s2] =	stream.indirect.scatter.add.f32 [tilespmem:s16], [sflag:$0x2], $0x80, s19, s15, $0xb8;
	[tilespmem:$0x1D000] =	vst v63  }
0x2d: {  	_ =	swait.ge [sflag:s12], $0x4000  }
0x2e: {  	s20 =	smov.u32 s23;
	s19 =	sshra.s32 s22, $0x2;
	[sflag:s12] =	ssyncset.done $0x0  }
0x2f: {  	s20 =	sadd.s32 $0x14000, s19;
	[sflag:s12] =	ssyncadd.s32 $0xFFFFC000  }
0x30: {  	[tilespmem:s16], [sflag:$0x1] =	stream.indirect.gather [hbm4b:s4+s15], $0x80, s20, s15, $0xb8;
	[tilespmem:$0x1D000] =	vst v63  }
0x31: {  	_ =	swait.ge [sflag:s17], $0x4000  }
0x32: {  	[sflag:s17] =	ssyncset.done $0x0  }
0x33: {  	s31 =	sadd.s32 $0x16800, s19;
	[sflag:s17] =	ssyncadd.s32 $0xFFFFC000  }
0x34: {  	[spmem:s2] =	stream.indirect.scatter.add.f32 [tilespmem:s16], [sflag:$0x2], $0x80, s31, s15, $0xb8;
	[tilespmem:$0x1D000] =	vst v63  }
0x35: {  	_ =	swait.ge [sflag:s12], $0x4000  }
0x36: {  	s18 =	sadd.s32 $0x1, s18;
	[sflag:s12] =	ssyncset.done $0x0  }
0x37: {  	p0 =	sne.s32 s18, s10;
	[sflag:s12] =	ssyncadd.s32 $0xFFFFC000  }
.Ltmp1:
0x38: {  	[bflag:$0x0] =	sbarrier.arrive $0xFFFF;
	(pc) =	sbr.rel @p0 .LBB2_1-.Ltmp1, $4  }
0x39: {  	[hbm:s9], [sflag:s6] =	dma.local [spmem:s11], $0x2800  }
0x3a: {  	_ =	swait.ge [sflag:s12], $0x2800  }
0x3b: {  	[sflag:s12] =	ssyncset.done $0x0  }
0x3c: {  	[sflag:s12] =	ssyncadd.s32 $0xFFFFD800  }
0x3d: {  	_ =	sfence.sel $0x180000  }
0x3e: {  	[bflag:$0x0] =	sbarrier.arrive $0xFFFF  }
0x3f: {  	p0 =	sne.s32 s0, $0x0;
	_ =	strace $0x9000004A  }
0x40: {  	s0 =	sadd.s32 @!p0 $0x100000, s1;
	[bflag:$0x2] =	sbarrier.arrive $0xFFFF  }
0x41: {  	[sflag:s0] =	ssyncadd.tile.s32 @!p0 $0x1;
	_ =	shalt  }
.Lfunc_end2:
_tile_overlayer_lowered:
.L_overlay_start_2:
0x42: {  	(tag) =	ssettag $0x2  }
0x43: {  	s0 =	rddreg [dreg:$0x0];
	s2 =	stileid.u32  }
0x44: {  	s1 =	rddreg [dreg:$0x1];
	p0 =	sne.s32 s2, $0x0  }
0x45: {  	s3 =	rddreg [dreg:$0x2];
	[bflag:$0x3] =	sbarrier.arrive $0xFFFF;
	s2 =	simm.s32 @!p0 $0x1C02  }
0x46: {  	[timem:s3], [sflag:s2] =	dma.local @!p0 [hbm:s0], s1  }
0x47: {  	s0 =	simm.s32 @!p0 $0x2  }
0x48: {  	_ =	swait.ge @!p0 [sflag:s0], s1  }
0x49: {  	s1 =	ssub.s32 @!p0 $0x0, s1;
	[sflag:s0] =	ssyncset.done @!p0 $0x0  }
0x4a: {  	[sflag:s0] =	ssyncadd.s32 @!p0 s1  }
0x4b: {  	[bflag:$0x3] =	sbarrier.arrive $0xFFFF  }
0x4c: {  	_ =	shalt  }

// kernel: kernel.17.cloned.1.call-start
scs
__scs_entry_jumppad:
0x0: {  	(pc) =	sbr.rel $0x88, $3  }
0x1: {  	(tag) =	ssettag $0x0;
	lr =	simm.s32 $0x1  }
0x2: {  	[smem:$0x3F87] =	sst lr;
	_ =	strace $0xD0000000  }
0x3: {  	_ = 	snop  }
0x4: {  	_ = 	snop  }
0x5: {  	_ = 	snop  }
0x6: {  	_ = 	snop  }
0x7: {  	_ = 	snop  }
__scs_overlays_trampoline_lowered:
0x8: {  	[smem:$0x3F96] =	sst s0  }
0x9: {  	[smem:$0x3F97] =	sst s1  }
0xa: {  	[smem:$0x3F98] =	sst s2  }
0xb: {  	[smem:$0x3F99] =	sst s3  }
0xc: {  	[smem:$0x3F9A] =	sst s4  }
0xd: {  	[smem:$0x3F9B] =	sst s5  }
0xe: {  	[smem:$0x3F9C] =	sst s6  }
0xf: {  	[smem:$0x3F9D] =	sst s7  }
0x10: {  	[smem:$0x3F9E] =	sst s8  }
0x11: {  	[smem:$0x3F9F] =	sst s9;
	s0 =	simm.s32 @!p0 $0x0  }
0x12: {  	s1 =	sld [smem:$0x3F85];
	s0 =	simm.s32 @p0 $0x1  }
0x13: {  	[smem:$0x3FA0] =	sst s0;
	s0 =	simm.s32 @!p1 $0x0  }
0x14: {  	s2 =	sld [smem:$0x3F84];
	s0 =	simm.s32 @p1 $0x1  }
0x15: {  	[smem:$0x3FA1] =	sst s0;
	s0 =	simm.s32 @!p2 $0x0  }
0x16: {  	s3 =	sld [smem:$0x3FDB];
	s0 =	simm.s32 @p2 $0x1  }
0x17: {  	s4 =	simm.s32 $0x1BF5;
	[smem:$0x3FA3] =	sst s0  }
0x18: {  	s0 =	sld [smem:$0x3F86];
	_ =	swait.ge [sflag:s4], $0x0  }
0x19: {  	s7 =	sld [smem:$0x3F87]  }
0x1a: {  	s8 =	sadd.s32 $0xFFFFE003, lr  }
0x1b: {  	s9 =	sadd.s32 $0xFFFFFEF7, lr;
	s5 =	simm.s32 $0xFFFFFFFF;
	p2 =	slt.u32 s8, $0xFFFFF086  }
0x1c: {  	p1 =	slt.u32 s9, $0xF7A;
	s5 =	simm.s32 @!p2 $0x0  }
0x1d: {  	s5 =	simm.s32 @p1 $0x1;
	p0 =	seq.s32 s7, s2  }
0x1e: {  	s7 =	smul.u32 @!p0 $0xF7A, s2;
	p2 =	seq.s32 @!p0 s5, $0x0  }
0x1f: {  	s9 =	smul.u32 $0xF7A, s1;
	s8 =	simm.s32 @!p0 $0x1BF5;
	p2 =	por !p2, p0  }
0x20: {  	[sflag:s8] =	ssyncset.s32 @!p0 $0xFFFFF086;
	s6 =	sadd.s32 @!p0 s3, s7;
	s7 =	simm.s32 @!p0 $0x108  }
0x21: {  	s3 =	sadd.s32 s3, s9;
	s6 =	sadd.s32 @!p0 $0x88, s6;
	s7 =	simm.s32 @p2 $0x1082  }
0x22: {  	[simem:s7], [sflag:s8] =	dma.local @!p0 [hbm:s6], $0xF7A  }
0x23: {  	s9 =	sor.u32 $0xD0000000, s2;
	s6 =	simm.s32 $0x108;
	_ =	swait.ge @!p0 [sflag:s8], $0x0  }
0x24: {  	s3 =	sadd.s32 $0x88, s3;
	s6 =	simm.s32 @!p1 $0x1082;
	[sflag:s4] =	ssyncset.s32 $0xFFFFF086  }
0x25: {  	[simem:s6], [sflag:s4] =	dma.local [hbm:s3], $0xF7A  }
0x26: {  	[smem:$0x3F87] =	sst s1;
	(tag) =	ssettag s2;
	_ =	strace s9  }
0x27: {  	s1 =	sld [smem:$0x3F97]  }
0x28: {  	s2 =	sld [smem:$0x3F98]  }
0x29: {  	s4 =	sld [smem:$0x3F9A]  }
0x2a: {  	p0 =	seq.s32 s5, $0x0;
	s5 =	sld [smem:$0x3F9B]  }
0x2b: {  	s6 =	sld [smem:$0x3F9C]  }
0x2c: {  	s7 =	sld [smem:$0x3F9D]  }
0x2d: {  	s3 =	simm.s32 $0x108;
	s8 =	sld [smem:$0x3F9E]  }
0x2e: {  	s3 =	simm.s32 @!p0 $0x1082;
	s9 =	sld [smem:$0x3F9F]  }
0x2f: {  	lr =	sadd.s32 s0, s3;
	s0 =	sld [smem:$0x3F96]  }
0x30: {  	s3 =	sld [smem:$0x3F99]  }
0x31: {  	[smem:$0x3FA2] =	sst s10  }
0x32: {  	s10 =	sld [smem:$0x3FA0];
	_ =	sdelay $0x3  }
0x33: {  	p0 =	seq.s32 s10, $0x1;
	s10 =	sld [smem:$0x3FA2];
	_ =	sdelay $0x3  }
0x34: {  	[smem:$0x3FA2] =	sst s10  }
0x35: {  	s10 =	sld [smem:$0x3FA1];
	_ =	sdelay $0x3  }
0x36: {  	p1 =	seq.s32 s10, $0x1;
	s10 =	sld [smem:$0x3FA2];
	_ =	sdelay $0x3  }
0x37: {  	[smem:$0x3FA2] =	sst s10  }
0x38: {  	s10 =	sld [smem:$0x3FA3]  }
0x39: {  	_ = 	snop;
	(pc) =	sbr.ind lr, $3  }
0x3a: {  	_ = 	snop  }
0x3b: {  	_ = 	snop  }
0x3c: {  	p2 =	seq.s32 s10, $0x1;
	s10 =	sld [smem:$0x3FA2]  }
0x3d: {  	_ =	shalt  }
0x3e: {  	_ =	shalt  }
0x3f: {  	_ =	shalt  }
0x40: {  	_ =	shalt  }
0x41: {  	_ =	shalt  }
0x42: {  	_ =	shalt  }
0x43: {  	_ =	shalt  }
0x44: {  	_ =	shalt  }
0x45: {  	_ =	shalt  }
0x46: {  	_ =	shalt  }
0x47: {  	_ =	shalt  }
0x48: {  	_ =	shalt  }
0x49: {  	_ =	shalt  }
0x4a: {  	_ =	shalt  }
0x4b: {  	_ =	shalt  }
0x4c: {  	_ =	shalt  }
0x4d: {  	_ =	shalt  }
0x4e: {  	_ =	shalt  }
0x4f: {  	_ =	shalt  }
0x50: {  	_ =	shalt  }
0x51: {  	_ =	shalt  }
0x52: {  	_ =	shalt  }
0x53: {  	_ =	shalt  }
0x54: {  	_ =	shalt  }
0x55: {  	_ =	shalt  }
0x56: {  	_ =	shalt  }
0x57: {  	_ =	shalt  }
0x58: {  	_ =	shalt  }
0x59: {  	_ =	shalt  }
0x5a: {  	_ =	shalt  }
0x5b: {  	_ =	shalt  }
0x5c: {  	_ =	shalt  }
0x5d: {  	_ =	shalt  }
0x5e: {  	_ =	shalt  }
0x5f: {  	_ =	shalt  }
0x60: {  	_ =	shalt  }
0x61: {  	_ =	shalt  }
0x62: {  	_ =	shalt  }
0x63: {  	_ =	shalt  }
0x64: {  	_ =	shalt  }
0x65: {  	_ =	shalt  }
0x66: {  	_ =	shalt  }
0x67: {  	_ =	shalt  }
0x68: {  	_ =	shalt  }
0x69: {  	_ =	shalt  }
0x6a: {  	_ =	shalt  }
0x6b: {  	_ =	shalt  }
0x6c: {  	_ =	shalt  }
0x6d: {  	_ =	shalt  }
0x6e: {  	_ =	shalt  }
0x6f: {  	_ =	shalt  }
0x70: {  	_ =	shalt  }
0x71: {  	_ =	shalt  }
0x72: {  	_ =	shalt  }
0x73: {  	_ =	shalt  }
0x74: {  	_ =	shalt  }
0x75: {  	_ =	shalt  }
0x76: {  	_ =	shalt  }
0x77: {  	_ =	shalt  }
0x78: {  	_ =	shalt  }
0x79: {  	_ =	shalt  }
0x7a: {  	_ =	shalt  }
0x7b: {  	_ =	shalt  }
0x7c: {  	_ =	shalt  }
0x7d: {  	_ =	shalt  }
0x7e: {  	_ =	shalt  }
0x7f: {  	_ =	shalt  }
0x80: {  	_ =	shalt  }
0x81: {  	_ =	shalt  }
0x82: {  	_ =	shalt  }
0x83: {  	_ =	shalt  }
0x84: {  	_ =	shalt  }
0x85: {  	_ =	shalt  }
0x86: {  	_ =	shalt  }
0x87: {  	_ =	shalt  }
.Lfunc_end0:
.L_simem_size_0:
called_computation.2_lowered:
.L_overlay_start_0:
0x88: {  	s2 =	sld [smem:$0x3FD9]  }
0x89: {  	s3 =	sld [smem:$0x3FFE];
	_ =	sdelay $0x1  }
0x8a: {  	s1 =	srdreg.scid  }
0x8b: {  	s0 =	sand.u32 $0x1, s1  }
0x8c: {  	s17 =	sshll.u32 s0, $0xA;
	s2 =	sadd.s32 s3, s2  }
0x8d: {  	s2 =	sadd.s32 s2, s17  }
0x8e: {  	[smem:$0x3FAE] =	sst s2  }
0x8f: {  	_ = 	snop  }
0x90: {  	s2 =	sld [smem:$0x3FD0];
	(tm) =	ssettm $0x1  }
0x91: {  	s18 =	sld [smem:$0x3FFB];
	_ =	sdelay $0x3  }
0x92: {  	_ =	strace s18  }
0x93: {  	s3 =	sld [smem:$0x3FFC];
	_ =	sdelay $0x3  }
0x94: {  	_ =	strace s3  }
0x95: {  	s3 =	sld [smem:$0x3FFD];
	_ =	sdelay $0x3  }
0x96: {  	_ =	strace s3  }
0x97: {  	_ =	strace $0x8FFFFFFF  }
0x98: {  	s19 =	sld [smem:$0x3FDB];
	_ =	sdelay $0x1  }
0x99: {  	s4 =	simm.s32 $_scs_section_size  }
0x9a: {  	s5 =	simm.s32 $_size__tile_overlayer_lowered;
	s6 =	simm.s32 $_tile_overlayer_lowered  }
0x9b: {  	s22 =	simm.s32 $0x1BFF;
	s21 =	sshll.u32 s6, $0x1;
	s3 =	sadd.s32 s4, s19  }
0x9c: {  	s7 =	simm.s32 $0x0;
	s20 =	sshll.u32 s5, $0x1;
	s5 =	sadd.s32 s21, s3  }
0x9d: {  	[timem:s7], [sflag:s22] =	dma.local [hbm:s5], s20  }
0x9e: {  	_ =	swait.ge [sflag:s22], s20  }
0x9f: {  	s4 =	ssub.s32 $0x0, s20;
	[sflag:s22] =	ssyncset.done $0x0  }
0xa0: {  	[sflag:s22] =	ssyncadd.s32 s4;
	_ =	sdelay $0x1  }
0xa1: {  	s23 =	simm.s32 $0x1B8B  }
0xa2: {  	_ =	swait.ge [sflag:s23], $0x1  }
0xa3: {  	[sflag:s23] =	ssyncset.done $0x0  }
0xa4: {  	s25 =	simm.s32 $0x1B8E;
	s24 =	sld [smem:$0x3FFE];
	[sflag:s23] =	ssyncadd.s32 $0xFFFFFFFF  }
0xa5: {  	s26 =	simm.s32 $execute0_lowered;
	[smem:$0x3FD2] =	sst s25  }
0xa6: {  	s5 =	sshll.u32 s26, $0x1;
	_ =	strace $0x8000004C;
	[dreg:$0x1] =	wrdreg $0xFFFFFFFF  }
0xa7: {  	s28 =	simm.s32 $_size_execute0_lowered;
	s3 =	sadd.s32 s3, s5;
	[dreg:$0x0] =	wrdreg $0x0  }
0xa8: {  	s5 =	sshll.u32 s28, $0x1;
	[dreg:$0x2] =	wrdreg s3  }
0xa9: {  	[dreg:$0x3] =	wrdreg s5  }
0xaa: {  	[dreg:$0x4] =	wrdreg $0xC0  }
0xab: {  	_ =	task [dreg:s7], $0x5FFFF  }
0xac: {  	[dreg:$0x1] =	wrdreg $0xFFFFFFFF  }
0xad: {  	[dreg:$0x0] =	wrdreg $0x60  }
0xae: {  	[dreg:$0x2] =	wrdreg s24  }
0xaf: {  	[dreg:$0x3] =	wrdreg s2  }
0xb0: {  	[dreg:$0x4] =	wrdreg $0x0  }
0xb1: {  	[dreg:$0x5] =	wrdreg $0x9  }
0xb2: {  	_ =	task.clear_ibuf [dreg:s7], $0x6FFFF;
	_ =	strace $0x9000004C  }
0xb3: {  	s29 =	simm.s32 $0x9;
	_ =	strace $0x8000004E  }
0xb4: {  	_ =	swait.ge [sflag:s29], $0x1  }
0xb5: {  	[sflag:s29] =	ssyncadd.s32 $0xFFFFFFFF  }
0xb6: {  	_ =	strace $0x9000004E  }
0xb7: {  	_ =	sfence  }
0xb8: {  	s30 =	sld [smem:$0x0];
	_ =	sdelay $0x2  }
0xb9: {  	s31 =	sshll.u32 s1, $0xD;
	s1 =	sshrl.u32 s1, $0x2  }
0xba: {  	s3 =	sand.u32 $0x4000, s31;
	s1 =	sadd.s32 s1, s30  }
0xbb: {  	s0 =	sor.u32 s3, s0;
	s1 =	sshll.u32 s1, $0x11  }
0xbc: {  	s0 =	sor.u32 s1, s0  }
0xbd: {  	s0 =	sadd.s32 $0x8F2B, s0  }
0xbe: {  	[sflag:s0] =	ssyncadd.remote.s32 $0x1  }
0xbf: {  	_ =	sfence.sel $0xFFFF  }
0xc0: {  	[dreg:$0x0] =	wrdreg $0xFFFFFFFF;
	(pc) =	sbr.abs _section_cstart, $3  }
0xc1: {  	[dreg:$0x1] =	wrdreg $0xFFFFFFFF  }
0xc2: {  	_ =	task.clear_ibuf [dreg:s7], $0x2FFFF;
	_ =	strace $0x9FFFFFFF  }
0xc3: {  	(tm) =	ssettm $0x7FFFFFFF  }
tec
execute0_lowered:
.L_overlay_start_1:
0x0: {  	(tag) =	ssettag $0x1  }
0x1: {  	s5 =	rddreg [dreg:$0x0]  }
0x2: {  	s1 =	srdreg.scid;
	s7 =	rddreg [dreg:$0x1]  }
0x3: {  	s0 =	stileid.u32;
	s2 =	rddreg [dreg:$0x2]  }
0x4: {  	s3 =	simm.s32 $0x0;
	s15 =	simm.s32 $0x80;
	s16 =	simm.s32 $0x19000  }
0x5: {  	s17 =	simm.s32 $0x1;
	s18 =	simm.s32 $0x0;
	s9 =	smul.u32 $0x14000, s0  }
0x6: {  	s6 =	sand.u32 $0x1, s1;
	s1 =	rddreg [dreg:$0x3];
	s13 =	smul.u32 $0x50000, s0  }
0x7: {  	s28 =	sshll.u32 s0, $0x1;
	[smem:$0x7FF] =	sst s3;
	s12 =	smul.u32 $0x140000, s6  }
0x8: {  	s4 =	sor.u32 s6, s28;
	s29 =	ssub.s32 $0x2, s6;
	s6 =	smul.u32 $0x50000, s6  }
0x9: {  	s31 =	sshll.u32 s0, $0x6;
	_ =	strace $0x8000004D;
	s8 =	smul.u32 $0x2800, s4  }
0xa: {  	s11 =	sshrl.u32 s9, $0x3;
	s4 =	sadd.s32 $0xEE00, s5;
	s14 =	sshrl.u32 s29, $0x1  }
0xb: {  	s30 =	sshrl.u32 s13, $0x2;
	s11 =	sadd.s32 s11, s5;
	s9 =	sadd.s32 s9, s12  }
0xc: {  	s12 =	ssub.s32 s29, s14;
	s13 =	sadd.s32 s30, s2;
	s14 =	simm.s32 $0x16800  }
0xd: {  	s10 =	sshrl.u32 s8, $0x3;
	s9 =	sshrl.u32 s9, $0x3;
	s8 =	sadd.s32 s6, s8  }
0xe: {  	s6 =	sor.u32 $0x1C02, s31;
	s10 =	sadd.s32 s10, s5;
	s9 =	sadd.s32 s9, s5  }
0xf: {  	s5 =	sadd.s32 $0x5D000, s11;
	s8 =	sshrl.u32 s8, $0x3;
	s11 =	sshrl.u32 s13, $0x3  }
0x10: {  	s13 =	simm.s32 $0x14000;
	s7 =	sadd.s32 s7, s8;
	s8 =	sadd.s32 $0x4E00, s10  }
0x11: {  	s9 =	sadd.s32 $0x85000, s9;
	s10 =	smax.u32 s12, $0x1;
	s12 =	simm.s32 $0x2  }
.LBB2_1:
0x12: {  	[spmem:s11], [sflag:s6] =	dma.local [hbm:s5], $0x2800  }
0x13: {  	_ =	swait.ge [sflag:s12], $0x2800  }
0x14: {  	[sflag:s12] =	ssyncset.done $0x0  }
0x15: {  	[sflag:s12] =	ssyncadd.s32 $0xFFFFD800  }
0x16: {  	[tilespmem:s13], [sflag:$0x2] =	stream.linear.gather [hbm4b:s7+s3], $0x2780, $0x38;
	[tilespmem:$0x1D000] =	vst v63  }
0x17: {  	_ =	swait.ge [sflag:s12], $0x2780  }
0x18: {  	[sflag:s12] =	ssyncset.done $0x0  }
0x19: {  	[sflag:s12] =	ssyncadd.s32 $0xFFFFD880  }
0x1a: {  	[tilespmem:s14], [sflag:$0x2] =	stream.linear.gather [hbm4b:s8+s3], $0x2780, $0x38;
	[tilespmem:$0x1D000] =	vst v63  }
0x1b: {  	_ =	swait.ge [sflag:s12], $0x2780  }
0x1c: {  	[sflag:s12] =	ssyncset.done $0x0  }
0x1d: {  	[sflag:s12] =	ssyncadd.s32 $0xFFFFD880  }
0x1e: {  	s19 =	simm.s32 $0x14000;
	[bflag:$0x0] =	sbarrier.arrive $0xFFFF  }
0x1f: {  	[tilespmem:s16], [sflag:$0x1] =	stream.indirect.gather [hbm4b:s4+s15], $0x80, s19, s15, $0xb8;
	[tilespmem:$0x1D000] =	vst v63  }
0x20: {  	_ =	swait.ge [sflag:s17], $0x4000  }
0x21: {  	[sflag:s17] =	ssyncset.done $0x0  }
0x22: {  	s31 =	simm.s32 $0x16800;
	[sflag:s17] =	ssyncadd.s32 $0xFFFFC000  }
0x23: {  	[spmem:s2] =	stream.indirect.scatter.add.f32 [tilespmem:s16], [sflag:$0x2], $0x80, s31, s15, $0xb8;
	[tilespmem:$0x1D000] =	vst v63  }
0x24: {  	_ =	swait.ge [sflag:s12], $0x4000  }
0x25: {  	s20 =	simm.s32 $0x400;
	s19 =	simm.s32 $0x80;
	[sflag:s12] =	ssyncset.done $0x0  }
.LBB2_2:
0x26: {  	s21 =	sadd.s32 $0x14000, s19  }
0x27: {  	[sflag:s12] =	ssyncadd.s32 $0xFFFFC000;
	s22 =	smov.u32 s20;
	s23 =	sadd.s32 $0x200, s20  }
0x28: {  	[tilespmem:s16], [sflag:$0x1] =	stream.indirect.gather [hbm4b:s4+s15], $0x80, s21, s15, $0xb8;
	[tilespmem:$0x1D000] =	vst v63  }
0x29: {  	p0 =	sne.s32 s20, $0x9C00;
	_ =	swait.ge [sflag:s17], $0x4000  }
.Ltmp0:
0x2a: {  	[sflag:s17] =	ssyncset.done $0x0;
	(pc) =	sbr.rel @p0 .LBB2_2-.Ltmp0, $4  }
0x2b: {  	s19 =	sadd.s32 $0x16800, s19;
	[sflag:s17] =	ssyncadd.s32 $0xFFFFC000  }
0x2c: {  	[spmem:s2] =	stream.indirect.scatter.add.f32 [tilespmem:s16], [sflag:$0x2], $0x80, s19, s15, $0xb8;
	[tilespmem:$0x1D000] =	vst v63  }
0x2d: {  	_ =	swait.ge [sflag:s12], $0x4000  }
0x2e: {  	s20 =	smov.u32 s23;
	s19 =	sshra.s32 s22, $0x2;
	[sflag:s12] =	ssyncset.done $0x0  }
0x2f: {  	s20 =	sadd.s32 $0x14000, s19;
	[sflag:s12] =	ssyncadd.s32 $0xFFFFC000  }
0x30: {  	[tilespmem:s16], [sflag:$0x1] =	stream.indirect.gather [hbm4b:s4+s15], $0x80, s20, s15, $0xb8;
	[tilespmem:$0x1D000] =	vst v63  }
0x31: {  	_ =	swait.ge [sflag:s17], $0x4000  }
0x32: {  	[sflag:s17] =	ssyncset.done $0x0  }
0x33: {  	s31 =	sadd.s32 $0x16800, s19;
	[sflag:s17] =	ssyncadd.s32 $0xFFFFC000  }
0x34: {  	[spmem:s2] =	stream.indirect.scatter.add.f32 [tilespmem:s16], [sflag:$0x2], $0x80, s31, s15, $0xb8;
	[tilespmem:$0x1D000] =	vst v63  }
0x35: {  	_ =	swait.ge [sflag:s12], $0x4000  }
0x36: {  	s18 =	sadd.s32 $0x1, s18;
	[sflag:s12] =	ssyncset.done $0x0  }
0x37: {  	p0 =	sne.s32 s18, s10;
	[sflag:s12] =	ssyncadd.s32 $0xFFFFC000  }
.Ltmp1:
0x38: {  	[bflag:$0x0] =	sbarrier.arrive $0xFFFF;
	(pc) =	sbr.rel @p0 .LBB2_1-.Ltmp1, $4  }
0x39: {  	[hbm:s9], [sflag:s6] =	dma.local [spmem:s11], $0x2800  }
0x3a: {  	_ =	swait.ge [sflag:s12], $0x2800  }
0x3b: {  	[sflag:s12] =	ssyncset.done $0x0  }
0x3c: {  	[sflag:s12] =	ssyncadd.s32 $0xFFFFD800  }
0x3d: {  	_ =	sfence.sel $0x180000  }
0x3e: {  	[bflag:$0x0] =	sbarrier.arrive $0xFFFF  }
0x3f: {  	p0 =	sne.s32 s0, $0x0;
	_ =	strace $0x9000004D  }
0x40: {  	s0 =	sadd.s32 @!p0 $0x100000, s1;
	[bflag:$0x2] =	sbarrier.arrive $0xFFFF  }
0x41: {  	[sflag:s0] =	ssyncadd.tile.s32 @!p0 $0x1;
	_ =	shalt  }
.Lfunc_end2:
_tile_overlayer_lowered:
.L_overlay_start_2:
0x42: {  	(tag) =	ssettag $0x2  }
0x43: {  	s0 =	rddreg [dreg:$0x0];
	s2 =	stileid.u32  }
0x44: {  	s1 =	rddreg [dreg:$0x1];
	p0 =	sne.s32 s2, $0x0  }
0x45: {  	s3 =	rddreg [dreg:$0x2];
	[bflag:$0x3] =	sbarrier.arrive $0xFFFF;
	s2 =	simm.s32 @!p0 $0x1C02  }
0x46: {  	[timem:s3], [sflag:s2] =	dma.local @!p0 [hbm:s0], s1  }
0x47: {  	s0 =	simm.s32 @!p0 $0x2  }
0x48: {  	_ =	swait.ge @!p0 [sflag:s0], s1  }
0x49: {  	s1 =	ssub.s32 @!p0 $0x0, s1;
	[sflag:s0] =	ssyncset.done @!p0 $0x0  }
0x4a: {  	[sflag:s0] =	ssyncadd.s32 @!p0 s1  }
0x4b: {  	[bflag:$0x3] =	sbarrier.arrive $0xFFFF  }
0x4c: {  	_ =	shalt  }

</sc_bundles>
